<compile_context>
chip_gen: v7x
topology: tpu7x:2x2x1
jax: 0.10.2.dev20260603
libtpu: 0.0.44.dev20260713+nightly
codegen_flags: <defaults>
</compile_context>

<pallas_src>
import functools

import jax
import jax.numpy as jnp
import numpy as np
from jax import lax
from jax.experimental import pallas as pl
from jax.experimental.pallas import tpu as pltpu
from jax.experimental.pallas import tpu_sc as plsc

N = 10000
N_PAD = 10240
E = 160000
NC, NS = 2, 16
NW = NC * NS
EPT = E // NW
CHUNK = 125
NCHUNK = EPT // CHUNK
STRIPE = N_PAD // NS
RING = 4
LOOK = 2

_SC_PARAMS = pltpu.CompilerParams(use_tc_tiling_on_sc=False)


def _sc_scatter_body(g_hbm, srci_hbm, dsti_hbm, zrows_hbm, out_hbm,
                     srcv, dstv, rows, acc, gsem, ssem, *, feat):
    c = lax.axis_index("c")
    s = lax.axis_index("s")
    gwid = c * NS + s

    pltpu.sync_copy(zrows_hbm, acc.at[pl.ds(s * STRIPE, STRIPE)])
    pltpu.sync_copy(srci_hbm.at[gwid], srcv)
    pltpu.sync_copy(dsti_hbm.at[gwid], dstv)
    plsc.subcore_barrier()

    def rowslot(j):
        r = lax.rem(j, RING)
        return rows.at[pl.ds(r * CHUNK, CHUNK)]

    for p in range(LOOK):
        pltpu.async_copy(g_hbm.at[srcv.at[p]], rowslot(p), gsem)

    def body(j, carry):
        q = j + LOOK

        @pl.when(q < NCHUNK)
        def _prefetch():
            @pl.when(j >= RING - LOOK)
            def _():
                pltpu.make_async_copy(rowslot(j), acc.at[dstv.at[j]],
                                      ssem).wait()
            pltpu.async_copy(g_hbm.at[srcv.at[q]], rowslot(q), gsem)

        pltpu.make_async_copy(g_hbm.at[srcv.at[j]], rowslot(j), gsem).wait()
        pltpu.async_copy(rowslot(j), acc.at[dstv.at[j]], ssem, add=True)
        return carry

    lax.fori_loop(0, NCHUNK, body, 0, unroll=False)

    def drain(j, carry):
        pltpu.make_async_copy(rowslot(0), acc.at[dstv.at[0]], ssem).wait()
        return carry

    lax.fori_loop(0, RING, drain, 0, unroll=False)
    plsc.subcore_barrier()
    pltpu.sync_copy(acc.at[pl.ds(s * STRIPE, STRIPE)],
                    out_hbm.at[c].at[pl.ds(s * STRIPE, STRIPE)])


def _make_sc_scatter(feat):
    mesh = plsc.VectorSubcoreMesh(core_axis_name="c", subcore_axis_name="s")
    return functools.partial(
        pl.kernel,
        out_type=jax.ShapeDtypeStruct((NC, N_PAD, feat), jnp.float32),
        mesh=mesh,
        scratch_types=[
            pltpu.VMEM((NCHUNK, CHUNK), jnp.int32),
            pltpu.VMEM((NCHUNK, CHUNK), jnp.int32),
            pltpu.VMEM((RING * CHUNK, feat), jnp.float32),
            pltpu.VMEM_SHARED((N_PAD, feat), jnp.float32),
            pltpu.SemaphoreType.DMA,
            pltpu.SemaphoreType.DMA,
        ],
        compiler_params=_SC_PARAMS,
        name=f"gcn_sc_scatter_{feat}",
    )(functools.partial(_sc_scatter_body, feat=feat))


def _sc_degree_body(ones_hbm, dsti_hbm, zrows_hbm, out_hbm,
                    dstv, rows, acc, sem):
    c = lax.axis_index("c")
    s = lax.axis_index("s")
    gwid = c * NS + s

    pltpu.sync_copy(zrows_hbm, acc.at[pl.ds(s * STRIPE, STRIPE)])
    pltpu.sync_copy(dsti_hbm.at[gwid], dstv)
    pltpu.sync_copy(ones_hbm, rows)
    plsc.subcore_barrier()

    def body(j, carry):
        pltpu.async_copy(rows, acc.at[dstv.at[j]], sem, add=True)
        return carry

    lax.fori_loop(0, NCHUNK, body, 0, unroll=False)

    def drain(j, carry):
        pltpu.make_async_copy(rows, acc.at[dstv.at[0]], sem).wait()
        return carry

    lax.fori_loop(0, NCHUNK, drain, 0, unroll=False)
    plsc.subcore_barrier()
    pltpu.sync_copy(acc.at[pl.ds(s * STRIPE, STRIPE)],
                    out_hbm.at[c].at[pl.ds(s * STRIPE, STRIPE)])


def _make_sc_degree():
    mesh = plsc.VectorSubcoreMesh(core_axis_name="c", subcore_axis_name="s")
    return functools.partial(
        pl.kernel,
        out_type=jax.ShapeDtypeStruct((NC, N_PAD, 16), jnp.float32),
        mesh=mesh,
        scratch_types=[
            pltpu.VMEM((NCHUNK, CHUNK), jnp.int32),
            pltpu.VMEM((CHUNK, 16), jnp.float32),
            pltpu.VMEM_SHARED((N_PAD, 16), jnp.float32),
            pltpu.SemaphoreType.DMA,
        ],
        compiler_params=_SC_PARAMS,
        name="gcn_sc_degree",
    )(_sc_degree_body)


def _tc_matmul_body(x_ref, w_ref, h_ref):
    h_ref[...] = jnp.dot(x_ref[...], w_ref[...],
                         preferred_element_type=jnp.float32)


def _tc_matmul(x, W1):
    return pl.pallas_call(
        _tc_matmul_body,
        out_shape=jax.ShapeDtypeStruct((N, 64), jnp.float32),
    )(x, W1)


def _tc_scale_body(h_ref, deg_ref, g_ref, dinv_ref):
    deg = deg_ref[0, :, 0] + deg_ref[1, :, 0] + 1.0
    dinv = lax.rsqrt(deg)[:, None]
    dinv_ref[...] = dinv
    g_ref[...] = h_ref[...] * dinv[:N]


def _tc_scale(h1, degacc):
    return pl.pallas_call(
        _tc_scale_body,
        out_shape=(jax.ShapeDtypeStruct((N, 64), jnp.float32),
                   jax.ShapeDtypeStruct((N_PAD, 1), jnp.float32)),
    )(h1, degacc)


def _tc_mid_body(acc_ref, g_ref, dinv_ref, b_ref, w_ref, out_ref):
    dinv = dinv_ref[:N]
    z = (acc_ref[0, :N, :] + acc_ref[1, :N, :] + g_ref[...]) * dinv + b_ref[...]
    z = jnp.maximum(z, 0.0)
    out_ref[...] = jnp.dot(z, w_ref[...],
                           preferred_element_type=jnp.float32) * dinv


def _tc_mid(accparts, g_prev, dinv, b, W, h_in, h_out):
    return pl.pallas_call(
        _tc_mid_body,
        out_shape=jax.ShapeDtypeStruct((N, h_out), jnp.float32),
    )(accparts, g_prev, dinv, b.reshape(1, h_in), W)


def _tc_final_body(acc_ref, g_ref, dinv_ref, b3_ref, w4_ref, b4_ref, out_ref):
    dinv = dinv_ref[:N]
    z = (acc_ref[0, :N, :] + acc_ref[1, :N, :] + g_ref[...]) * dinv + b3_ref[...]
    z = jnp.maximum(z, 0.0)
    out_ref[...] = jnp.dot(z, w4_ref[...],
                           preferred_element_type=jnp.float32) + b4_ref[...]


def _tc_final(accparts, g3, dinv, b3, W4, b4):
    return pl.pallas_call(
        _tc_final_body,
        out_shape=jax.ShapeDtypeStruct((N, 2), jnp.float32),
    )(accparts, g3, dinv, b3.reshape(1, 16), W4, b4.reshape(1, 2))


@jax.jit
def kernel(x, edge_index, W1, b1, W2, b2, W3, b3, W4, b4):
    ei = edge_index.astype(jnp.int32).reshape(2 * E)
    src = ei[:E].reshape(NW, NCHUNK, CHUNK)
    dst = ei[E:].reshape(NW, NCHUNK, CHUNK)

    ones_rows = jnp.asarray(np.ones((CHUNK, 16), np.float32))
    z16 = jnp.asarray(np.zeros((STRIPE, 16), np.float32))
    degacc = _make_sc_degree()(ones_rows, dst, z16)

    h1 = _tc_matmul(x, W1)
    g1, dinv = _tc_scale(h1, degacc)
    acc1 = _make_sc_scatter(64)(
        g1, src, dst, jnp.asarray(np.zeros((STRIPE, 64), np.float32)))
    g2 = _tc_mid(acc1, g1, dinv, b1, W2, 64, 32)
    acc2 = _make_sc_scatter(32)(
        g2, src, dst, jnp.asarray(np.zeros((STRIPE, 32), np.float32)))
    g3 = _tc_mid(acc2, g2, dinv, b2, W3, 32, 16)
    acc3 = _make_sc_scatter(16)(g3, src, dst, z16)
    return _tc_final(acc3, g3, dinv, b3, W4, b4)

# --- scband reference (transcript-rebuilt; emitter-appended) ---
"""Pipeline reference for scband-syst-risk-gcn-9259949490636 (READ-ONLY COPY).

The authoritative reference and input builder live on the scoring server;
editing this copy changes nothing except your own understanding.
"""

import jax, jax.numpy as jnp
import numpy as np

N = 10000
D_IN = 256
H1, H2, H3 = 64, 32, 16

def glorot(key, shape):
    fan_in, fan_out = shape[0], shape[1]
    lim = jnp.sqrt(6.0 / (fan_in + fan_out))
    return jax.random.uniform(key, shape, minval=-lim, maxval=lim, dtype=jnp.float32)

def setup_inputs(seed: int = 0) -> dict:
    key = jax.random.key(seed)
    ks = jax.random.split(key, 12)
    x = jax.random.normal(ks[0], (N, D_IN), dtype=jnp.float32)
    edge_index = jax.random.randint(ks[1], (2, 160000), 0, N, dtype=jnp.int64)
    W1 = glorot(ks[2], (D_IN, H1)); b1 = jnp.zeros((H1,), jnp.float32)
    W2 = glorot(ks[3], (H1, H2));  b2 = jnp.zeros((H2,), jnp.float32)
    W3 = glorot(ks[4], (H2, H3));  b3 = jnp.zeros((H3,), jnp.float32)
    W4 = glorot(ks[5], (H3, 2));   b4 = jnp.zeros((2,), jnp.float32)
    return {"x": x, "edge_index": edge_index, "W1": W1, "b1": b1,
            "W2": W2, "b2": b2, "W3": W3, "b3": b3, "W4": W4, "b4": b4}

def gcn_conv(x, src, dst, W, b):
    # PyG GCNConv: h = x W; out = D^{-1/2} (A+I) D^{-1/2} h + b
    h = x @ W
    n = x.shape[0]
    deg = jnp.zeros((n,), jnp.float32).at[dst].add(1.0)
    dinv = 1.0 / jnp.sqrt(deg)  # self loops guarantee deg >= 1
    norm = dinv[src] * dinv[dst]
    msg = h[src] * norm[:, None]
    out = jnp.zeros((n, h.shape[1]), jnp.float32).at[dst].add(msg)
    return out + b

def reference(x, edge_index, W1, b1, W2, b2, W3, b3, W4, b4):
    n = x.shape[0]
    loop = jnp.arange(n, dtype=edge_index.dtype)
    src = jnp.concatenate([edge_index[0], loop])
    dst = jnp.concatenate([edge_index[1], loop])
    h = jax.nn.relu(gcn_conv(x, src, dst, W1, b1))
    # dropout is identity in eval mode
    h = jax.nn.relu(gcn_conv(h, src, dst, W2, b2))
    h = jax.nn.relu(gcn_conv(h, src, dst, W3, b3))
    logits = h @ W4 + b4
    return logits

if __name__ == "__main__":
    import jax
    _d = setup_inputs()
    print(jax.jit(kernel)(*tuple(_d.values())))

</pallas_src>

<mosaic_0001>
#map = affine_map<(d0, d1) -> (0, 0)>
#map1 = affine_map<(d0, d1) -> (0, 0, 0)>
module attributes {stable_mosaic.version = 14 : i64} {
  func.func @gcn_sc_degree(%arg0: i32, %arg1: i32, %arg2: memref<125x16xf32, #tpu.memory_space<hbm>>, %arg3: memref<32x40x125xi32, #tpu.memory_space<hbm>>, %arg4: memref<640x16xf32, #tpu.memory_space<hbm>>, %arg5: memref<2x10240x16xf32, #tpu.memory_space<hbm>>, %arg6: memref<40x125xi32, #tpu.memory_space<vmem>>, %arg7: memref<125x16xf32, #tpu.memory_space<vmem>>, %arg8: memref<10240x16xf32, #tpu.memory_space<vmem_shared>>, %arg9: memref<!tpu.dma_semaphore, #tpu.memory_space<semaphore_mem>>) attributes {dimension_semantics = [#tpu.dimension_semantics<core_parallel>, #tpu.dimension_semantics<subcore_parallel>], iteration_bounds = array<i64: 2, 16>, scalar_prefetch = 0 : i64, scratch_operands = 4 : i64, tpu.core_type = #tpu.core_type<sc_vector_subcore>, window_params = [{transform_indices = #map}, {transform_indices = #map1}, {transform_indices = #map}, {transform_indices = #map1}]} {
    %mul3A = arith.constant 16 : i32
    %mul3A_0 = arith.muli %arg0, %mul3A : i32
    %add3A = arith.addi %mul3A_0, %arg1 : i32
    %mul3A_1 = arith.constant 640 : i32
    %mul3A_2 = arith.muli %arg1, %mul3A_1 : i32
    "tpu.region"() ({
      %run_scoped3A = tpu.sem_alloc : memref<!tpu.dma_semaphore, #tpu.memory_space<semaphore_mem>>
      %dma_start3A = arith.constant 0 : i32
      %dma_start3A_19 = tpu.memref_slice %arg8[%mul3A_2, %dma_start3A] : memref<10240x16xf32, #tpu.memory_space<vmem_shared>> -> memref<640x16xf32, #tpu.memory_space<vmem_shared>>
      tpu.enqueue_dma source(%arg4 : memref<640x16xf32, #tpu.memory_space<hbm>>) target(%dma_start3A_19 : memref<640x16xf32, #tpu.memory_space<vmem_shared>>) target_semaphore(%run_scoped3A : memref<!tpu.dma_semaphore, #tpu.memory_space<semaphore_mem>>)
      %dma_wait3A = arith.constant 0 : i32
      %dma_wait3A_20 = tpu.memref_slice %arg8[%mul3A_2, %dma_wait3A] : memref<10240x16xf32, #tpu.memory_space<vmem_shared>> -> memref<640x16xf32, #tpu.memory_space<vmem_shared>>
      tpu.wait_dma2 semaphore(%run_scoped3A : memref<!tpu.dma_semaphore, #tpu.memory_space<semaphore_mem>>) src(%arg4 : memref<640x16xf32, #tpu.memory_space<hbm>>) dst(%dma_wait3A_20 : memref<640x16xf32, #tpu.memory_space<vmem_shared>>)
      tpu.yield
    }) : () -> ()
    "tpu.region"() ({
      %run_scoped3A = tpu.sem_alloc : memref<!tpu.dma_semaphore, #tpu.memory_space<semaphore_mem>>
      %dma_start3A = arith.constant 0 : i32
      %dma_start3A_19 = arith.constant 0 : i32
      %dma_start3A_20 = tpu.memref_slice %arg3[%add3A, %dma_start3A, %dma_start3A_19] : memref<32x40x125xi32, #tpu.memory_space<hbm>> -> memref<1x40x125xi32, #tpu.memory_space<hbm>>
      %dma_start3A_21 = tpu.memref_squeeze %dma_start3A_20 : memref<1x40x125xi32, #tpu.memory_space<hbm>> -> memref<40x125xi32, #tpu.memory_space<hbm>>
      %dma_start3A_22 = arith.constant 0 : i32
      %dma_start3A_23 = arith.constant 0 : i32
      %dma_start3A_24 = tpu.memref_slice %arg3[%add3A, %dma_start3A_22, %dma_start3A_23] : memref<32x40x125xi32, #tpu.memory_space<hbm>> -> memref<1x40x125xi32, #tpu.memory_space<hbm>>
      %dma_start3A_25 = tpu.memref_squeeze %dma_start3A_24 : memref<1x40x125xi32, #tpu.memory_space<hbm>> -> memref<40x125xi32, #tpu.memory_space<hbm>>
      tpu.enqueue_dma source(%dma_start3A_25 : memref<40x125xi32, #tpu.memory_space<hbm>>) target(%arg6 : memref<40x125xi32, #tpu.memory_space<vmem>>) target_semaphore(%run_scoped3A : memref<!tpu.dma_semaphore, #tpu.memory_space<semaphore_mem>>)
      %dma_wait3A = arith.constant 0 : i32
      %dma_wait3A_26 = arith.constant 0 : i32
      %dma_wait3A_27 = tpu.memref_slice %arg3[%add3A, %dma_wait3A, %dma_wait3A_26] : memref<32x40x125xi32, #tpu.memory_space<hbm>> -> memref<1x40x125xi32, #tpu.memory_space<hbm>>
      %dma_wait3A_28 = tpu.memref_squeeze %dma_wait3A_27 : memref<1x40x125xi32, #tpu.memory_space<hbm>> -> memref<40x125xi32, #tpu.memory_space<hbm>>
      %dma_wait3A_29 = arith.constant 0 : i32
      %dma_wait3A_30 = arith.constant 0 : i32
      %dma_wait3A_31 = tpu.memref_slice %arg3[%add3A, %dma_wait3A_29, %dma_wait3A_30] : memref<32x40x125xi32, #tpu.memory_space<hbm>> -> memref<1x40x125xi32, #tpu.memory_space<hbm>>
      %dma_wait3A_32 = tpu.memref_squeeze %dma_wait3A_31 : memref<1x40x125xi32, #tpu.memory_space<hbm>> -> memref<40x125xi32, #tpu.memory_space<hbm>>
      tpu.wait_dma2 semaphore(%run_scoped3A : memref<!tpu.dma_semaphore, #tpu.memory_space<semaphore_mem>>) src(%dma_wait3A_32 : memref<40x125xi32, #tpu.memory_space<hbm>>) dst(%arg6 : memref<40x125xi32, #tpu.memory_space<vmem>>)
      tpu.yield
    }) : () -> ()
    "tpu.region"() ({
      %run_scoped3A = tpu.sem_alloc : memref<!tpu.dma_semaphore, #tpu.memory_space<semaphore_mem>>
      tpu.enqueue_dma source(%arg2 : memref<125x16xf32, #tpu.memory_space<hbm>>) target(%arg7 : memref<125x16xf32, #tpu.memory_space<vmem>>) target_semaphore(%run_scoped3A : memref<!tpu.dma_semaphore, #tpu.memory_space<semaphore_mem>>)
      tpu.wait_dma2 semaphore(%run_scoped3A : memref<!tpu.dma_semaphore, #tpu.memory_space<semaphore_mem>>) src(%arg2 : memref<125x16xf32, #tpu.memory_space<hbm>>) dst(%arg7 : memref<125x16xf32, #tpu.memory_space<vmem>>)
      tpu.yield
    }) : () -> ()
    %barrier3A = arith.constant 0 : index
    tpu.barrier barrier_id(%barrier3A)
    %scan3A = arith.constant 0 : i32
    %scan3A_3 = arith.constant 0 : i32
    %scan3A_4 = arith.constant 40 : i32
    %scan3A_5 = arith.addi %scan3A_3, %scan3A_4 : i32
    %scan3A_6 = arith.constant 1 : i32
    scf.for %scan3A_19 = %scan3A_3 to %scan3A_5 step %scan3A_6  : i32 {
      %dma_start3A = arith.constant 0 : i32
      %dma_start3A_20 = tpu.memref_slice %arg6[%scan3A_19, %dma_start3A] : memref<40x125xi32, #tpu.memory_space<vmem>> -> memref<1x125xi32, #tpu.memory_space<vmem>>
      %dma_start3A_21 = tpu.memref_squeeze %dma_start3A_20 : memref<1x125xi32, #tpu.memory_space<vmem>> -> memref<125xi32, #tpu.memory_space<vmem>>
      %dma_start3A_22 = arith.constant 0 : i32
      %dma_start3A_23 = arith.constant 0 : i32
      %dma_start3A_24 = tpu.memref_slice %arg8[%dma_start3A_22, %dma_start3A_23] : memref<10240x16xf32, #tpu.memory_space<vmem_shared>> -> memref<10240x16xf32, #tpu.memory_space<vmem_shared>>
      tpu.enqueue_indirect_dma source(%arg7 : memref<125x16xf32, #tpu.memory_space<vmem>>) target(%dma_start3A_24 : memref<10240x16xf32, #tpu.memory_space<vmem_shared>>) offsets(%dma_start3A_21 : memref<125xi32, #tpu.memory_space<vmem>>) semaphore(%arg9 : memref<!tpu.dma_semaphore, #tpu.memory_space<semaphore_mem>>) {add = true}
    }
    %scan3A_7 = arith.constant 40 : i32
    %scan3A_8 = arith.constant 0 : i32
    %scan3A_9 = arith.constant 0 : i32
    %scan3A_10 = arith.constant 40 : i32
    %scan3A_11 = arith.addi %scan3A_9, %scan3A_10 : i32
    %scan3A_12 = arith.constant 1 : i32
    scf.for %scan3A_19 = %scan3A_9 to %scan3A_11 step %scan3A_12  : i32 {
      %dma_wait3A = arith.constant 0 : i32
      %dma_wait3A_20 = arith.constant 0 : i32
      %dma_wait3A_21 = tpu.memref_slice %arg6[%dma_wait3A, %dma_wait3A_20] : memref<40x125xi32, #tpu.memory_space<vmem>> -> memref<1x125xi32, #tpu.memory_space<vmem>>
      %dma_wait3A_22 = tpu.memref_squeeze %dma_wait3A_21 : memref<1x125xi32, #tpu.memory_space<vmem>> -> memref<125xi32, #tpu.memory_space<vmem>>
      %dma_wait3A_23 = arith.constant 0 : i32
      %dma_wait3A_24 = arith.constant 0 : i32
      %dma_wait3A_25 = tpu.memref_slice %arg8[%dma_wait3A_23, %dma_wait3A_24] : memref<10240x16xf32, #tpu.memory_space<vmem_shared>> -> memref<10240x16xf32, #tpu.memory_space<vmem_shared>>
      tpu.wait_indirect_dma semaphore(%arg9 : memref<!tpu.dma_semaphore, #tpu.memory_space<semaphore_mem>>) src(%arg7 : memref<125x16xf32, #tpu.memory_space<vmem>>) dst(%dma_wait3A_25 : memref<10240x16xf32, #tpu.memory_space<vmem_shared>>)
    }
    %scan3A_13 = arith.constant 40 : i32
    %barrier3A_14 = arith.constant 0 : index
    tpu.barrier barrier_id(%barrier3A_14)
    %mul3A_15 = arith.constant 640 : i32
    %mul3A_16 = arith.muli %arg1, %mul3A_15 : i32
    %mul3A_17 = arith.constant 640 : i32
    %mul3A_18 = arith.muli %arg1, %mul3A_17 : i32
    "tpu.region"() ({
      %run_scoped3A = tpu.sem_alloc : memref<!tpu.dma_semaphore, #tpu.memory_space<semaphore_mem>>
      %dma_start3A = arith.constant 0 : i32
      %dma_start3A_19 = arith.constant 0 : i32
      %dma_start3A_20 = tpu.memref_slice %arg5[%arg0, %dma_start3A, %dma_start3A_19] : memref<2x10240x16xf32, #tpu.memory_space<hbm>> -> memref<1x10240x16xf32, #tpu.memory_space<hbm>>
      %dma_start3A_21 = tpu.memref_squeeze %dma_start3A_20 : memref<1x10240x16xf32, #tpu.memory_space<hbm>> -> memref<10240x16xf32, #tpu.memory_space<hbm>>
      %dma_start3A_22 = arith.constant 0 : i32
      %dma_start3A_23 = tpu.memref_slice %dma_start3A_21[%mul3A_18, %dma_start3A_22] : memref<10240x16xf32, #tpu.memory_space<hbm>> -> memref<640x16xf32, #tpu.memory_space<hbm>>
      %dma_start3A_24 = arith.constant 0 : i32
      %dma_start3A_25 = tpu.memref_slice %arg8[%mul3A_16, %dma_start3A_24] : memref<10240x16xf32, #tpu.memory_space<vmem_shared>> -> memref<640x16xf32, #tpu.memory_space<vmem_shared>>
      tpu.enqueue_dma source(%dma_start3A_25 : memref<640x16xf32, #tpu.memory_space<vmem_shared>>) target(%dma_start3A_23 : memref<640x16xf32, #tpu.memory_space<hbm>>) target_semaphore(%run_scoped3A : memref<!tpu.dma_semaphore, #tpu.memory_space<semaphore_mem>>)
      %dma_wait3A = arith.constant 0 : i32
      %dma_wait3A_26 = arith.constant 0 : i32
      %dma_wait3A_27 = tpu.memref_slice %arg5[%arg0, %dma_wait3A, %dma_wait3A_26] : memref<2x10240x16xf32, #tpu.memory_space<hbm>> -> memref<1x10240x16xf32, #tpu.memory_space<hbm>>
      %dma_wait3A_28 = tpu.memref_squeeze %dma_wait3A_27 : memref<1x10240x16xf32, #tpu.memory_space<hbm>> -> memref<10240x16xf32, #tpu.memory_space<hbm>>
      %dma_wait3A_29 = arith.constant 0 : i32
      %dma_wait3A_30 = tpu.memref_slice %dma_wait3A_28[%mul3A_18, %dma_wait3A_29] : memref<10240x16xf32, #tpu.memory_space<hbm>> -> memref<640x16xf32, #tpu.memory_space<hbm>>
      %dma_wait3A_31 = arith.constant 0 : i32
      %dma_wait3A_32 = tpu.memref_slice %arg8[%mul3A_16, %dma_wait3A_31] : memref<10240x16xf32, #tpu.memory_space<vmem_shared>> -> memref<640x16xf32, #tpu.memory_space<vmem_shared>>
      tpu.wait_dma2 semaphore(%run_scoped3A : memref<!tpu.dma_semaphore, #tpu.memory_space<semaphore_mem>>) src(%dma_wait3A_32 : memref<640x16xf32, #tpu.memory_space<vmem_shared>>) dst(%dma_wait3A_30 : memref<640x16xf32, #tpu.memory_space<hbm>>)
      tpu.yield
    }) : () -> ()
    return
  }
}

#map = affine_map<(d0, d1) -> (0, 0)>
#map1 = affine_map<(d0, d1) -> (0, 0, 0)>
module attributes {stable_mosaic.version = 14 : i64} {
  func.func @gcn_sc_scatter_64(%arg0: i32, %arg1: i32, %arg2: memref<10000x64xf32, #tpu.memory_space<hbm>>, %arg3: memref<32x40x125xi32, #tpu.memory_space<hbm>>, %arg4: memref<32x40x125xi32, #tpu.memory_space<hbm>>, %arg5: memref<640x64xf32, #tpu.memory_space<hbm>>, %arg6: memref<2x10240x64xf32, #tpu.memory_space<hbm>>, %arg7: memref<40x125xi32, #tpu.memory_space<vmem>>, %arg8: memref<40x125xi32, #tpu.memory_space<vmem>>, %arg9: memref<500x64xf32, #tpu.memory_space<vmem>>, %arg10: memref<10240x64xf32, #tpu.memory_space<vmem_shared>>, %arg11: memref<!tpu.dma_semaphore, #tpu.memory_space<semaphore_mem>>, %arg12: memref<!tpu.dma_semaphore, #tpu.memory_space<semaphore_mem>>) attributes {dimension_semantics = [#tpu.dimension_semantics<core_parallel>, #tpu.dimension_semantics<subcore_parallel>], iteration_bounds = array<i64: 2, 16>, scalar_prefetch = 0 : i64, scratch_operands = 6 : i64, tpu.core_type = #tpu.core_type<sc_vector_subcore>, window_params = [{transform_indices = #map}, {transform_indices = #map1}, {transform_indices = #map1}, {transform_indices = #map}, {transform_indices = #map1}]} {
    %mul3A = arith.constant 16 : i32
    %mul3A_0 = arith.muli %arg0, %mul3A : i32
    %add3A = arith.addi %mul3A_0, %arg1 : i32
    %mul3A_1 = arith.constant 640 : i32
    %mul3A_2 = arith.muli %arg1, %mul3A_1 : i32
    "tpu.region"() ({
      %run_scoped3A = tpu.sem_alloc : memref<!tpu.dma_semaphore, #tpu.memory_space<semaphore_mem>>
      %dma_start3A_45 = arith.constant 0 : i32
      %dma_start3A_46 = tpu.memref_slice %arg10[%mul3A_2, %dma_start3A_45] : memref<10240x64xf32, #tpu.memory_space<vmem_shared>> -> memref<640x64xf32, #tpu.memory_space<vmem_shared>>
      tpu.enqueue_dma source(%arg5 : memref<640x64xf32, #tpu.memory_space<hbm>>) target(%dma_start3A_46 : memref<640x64xf32, #tpu.memory_space<vmem_shared>>) target_semaphore(%run_scoped3A : memref<!tpu.dma_semaphore, #tpu.memory_space<semaphore_mem>>)
      %dma_wait3A = arith.constant 0 : i32
      %dma_wait3A_47 = tpu.memref_slice %arg10[%mul3A_2, %dma_wait3A] : memref<10240x64xf32, #tpu.memory_space<vmem_shared>> -> memref<640x64xf32, #tpu.memory_space<vmem_shared>>
      tpu.wait_dma2 semaphore(%run_scoped3A : memref<!tpu.dma_semaphore, #tpu.memory_space<semaphore_mem>>) src(%arg5 : memref<640x64xf32, #tpu.memory_space<hbm>>) dst(%dma_wait3A_47 : memref<640x64xf32, #tpu.memory_space<vmem_shared>>)
      tpu.yield
    }) : () -> ()
    "tpu.region"() ({
      %run_scoped3A = tpu.sem_alloc : memref<!tpu.dma_semaphore, #tpu.memory_space<semaphore_mem>>
      %dma_start3A_45 = arith.constant 0 : i32
      %dma_start3A_46 = arith.constant 0 : i32
      %dma_start3A_47 = tpu.memref_slice %arg3[%add3A, %dma_start3A_45, %dma_start3A_46] : memref<32x40x125xi32, #tpu.memory_space<hbm>> -> memref<1x40x125xi32, #tpu.memory_space<hbm>>
      %dma_start3A_48 = tpu.memref_squeeze %dma_start3A_47 : memref<1x40x125xi32, #tpu.memory_space<hbm>> -> memref<40x125xi32, #tpu.memory_space<hbm>>
      %dma_start3A_49 = arith.constant 0 : i32
      %dma_start3A_50 = arith.constant 0 : i32
      %dma_start3A_51 = tpu.memref_slice %arg3[%add3A, %dma_start3A_49, %dma_start3A_50] : memref<32x40x125xi32, #tpu.memory_space<hbm>> -> memref<1x40x125xi32, #tpu.memory_space<hbm>>
      %dma_start3A_52 = tpu.memref_squeeze %dma_start3A_51 : memref<1x40x125xi32, #tpu.memory_space<hbm>> -> memref<40x125xi32, #tpu.memory_space<hbm>>
      tpu.enqueue_dma source(%dma_start3A_52 : memref<40x125xi32, #tpu.memory_space<hbm>>) target(%arg7 : memref<40x125xi32, #tpu.memory_space<vmem>>) target_semaphore(%run_scoped3A : memref<!tpu.dma_semaphore, #tpu.memory_space<semaphore_mem>>)
      %dma_wait3A = arith.constant 0 : i32
      %dma_wait3A_53 = arith.constant 0 : i32
      %dma_wait3A_54 = tpu.memref_slice %arg3[%add3A, %dma_wait3A, %dma_wait3A_53] : memref<32x40x125xi32, #tpu.memory_space<hbm>> -> memref<1x40x125xi32, #tpu.memory_space<hbm>>
      %dma_wait3A_55 = tpu.memref_squeeze %dma_wait3A_54 : memref<1x40x125xi32, #tpu.memory_space<hbm>> -> memref<40x125xi32, #tpu.memory_space<hbm>>
      %dma_wait3A_56 = arith.constant 0 : i32
      %dma_wait3A_57 = arith.constant 0 : i32
      %dma_wait3A_58 = tpu.memref_slice %arg3[%add3A, %dma_wait3A_56, %dma_wait3A_57] : memref<32x40x125xi32, #tpu.memory_space<hbm>> -> memref<1x40x125xi32, #tpu.memory_space<hbm>>
      %dma_wait3A_59 = tpu.memref_squeeze %dma_wait3A_58 : memref<1x40x125xi32, #tpu.memory_space<hbm>> -> memref<40x125xi32, #tpu.memory_space<hbm>>
      tpu.wait_dma2 semaphore(%run_scoped3A : memref<!tpu.dma_semaphore, #tpu.memory_space<semaphore_mem>>) src(%dma_wait3A_59 : memref<40x125xi32, #tpu.memory_space<hbm>>) dst(%arg7 : memref<40x125xi32, #tpu.memory_space<vmem>>)
      tpu.yield
    }) : () -> ()
    "tpu.region"() ({
      %run_scoped3A = tpu.sem_alloc : memref<!tpu.dma_semaphore, #tpu.memory_space<semaphore_mem>>
      %dma_start3A_45 = arith.constant 0 : i32
      %dma_start3A_46 = arith.constant 0 : i32
      %dma_start3A_47 = tpu.memref_slice %arg4[%add3A, %dma_start3A_45, %dma_start3A_46] : memref<32x40x125xi32, #tpu.memory_space<hbm>> -> memref<1x40x125xi32, #tpu.memory_space<hbm>>
      %dma_start3A_48 = tpu.memref_squeeze %dma_start3A_47 : memref<1x40x125xi32, #tpu.memory_space<hbm>> -> memref<40x125xi32, #tpu.memory_space<hbm>>
      %dma_start3A_49 = arith.constant 0 : i32
      %dma_start3A_50 = arith.constant 0 : i32
      %dma_start3A_51 = tpu.memref_slice %arg4[%add3A, %dma_start3A_49, %dma_start3A_50] : memref<32x40x125xi32, #tpu.memory_space<hbm>> -> memref<1x40x125xi32, #tpu.memory_space<hbm>>
      %dma_start3A_52 = tpu.memref_squeeze %dma_start3A_51 : memref<1x40x125xi32, #tpu.memory_space<hbm>> -> memref<40x125xi32, #tpu.memory_space<hbm>>
      tpu.enqueue_dma source(%dma_start3A_52 : memref<40x125xi32, #tpu.memory_space<hbm>>) target(%arg8 : memref<40x125xi32, #tpu.memory_space<vmem>>) target_semaphore(%run_scoped3A : memref<!tpu.dma_semaphore, #tpu.memory_space<semaphore_mem>>)
      %dma_wait3A = arith.constant 0 : i32
      %dma_wait3A_53 = arith.constant 0 : i32
      %dma_wait3A_54 = tpu.memref_slice %arg4[%add3A, %dma_wait3A, %dma_wait3A_53] : memref<32x40x125xi32, #tpu.memory_space<hbm>> -> memref<1x40x125xi32, #tpu.memory_space<hbm>>
      %dma_wait3A_55 = tpu.memref_squeeze %dma_wait3A_54 : memref<1x40x125xi32, #tpu.memory_space<hbm>> -> memref<40x125xi32, #tpu.memory_space<hbm>>
      %dma_wait3A_56 = arith.constant 0 : i32
      %dma_wait3A_57 = arith.constant 0 : i32
      %dma_wait3A_58 = tpu.memref_slice %arg4[%add3A, %dma_wait3A_56, %dma_wait3A_57] : memref<32x40x125xi32, #tpu.memory_space<hbm>> -> memref<1x40x125xi32, #tpu.memory_space<hbm>>
      %dma_wait3A_59 = tpu.memref_squeeze %dma_wait3A_58 : memref<1x40x125xi32, #tpu.memory_space<hbm>> -> memref<40x125xi32, #tpu.memory_space<hbm>>
      tpu.wait_dma2 semaphore(%run_scoped3A : memref<!tpu.dma_semaphore, #tpu.memory_space<semaphore_mem>>) src(%dma_wait3A_59 : memref<40x125xi32, #tpu.memory_space<hbm>>) dst(%arg8 : memref<40x125xi32, #tpu.memory_space<vmem>>)
      tpu.yield
    }) : () -> ()
    %barrier3A = arith.constant 0 : index
    tpu.barrier barrier_id(%barrier3A)
    %rem3A = arith.constant 0 : i32
    %rem3A_3 = arith.constant 4 : i32
    %rem3A_4 = arith.remsi %rem3A, %rem3A_3 : i32
    %mul3A_5 = arith.constant 125 : i32
    %mul3A_6 = arith.muli %rem3A_4, %mul3A_5 : i32
    %dma_start3A = arith.constant 0 : i32
    %dma_start3A_7 = arith.constant 0 : i32
    %dma_start3A_8 = tpu.memref_slice %arg9[%mul3A_6, %dma_start3A_7] : memref<500x64xf32, #tpu.memory_space<vmem>> -> memref<125x64xf32, #tpu.memory_space<vmem>>
    %dma_start3A_9 = arith.constant 0 : i32
    %dma_start3A_10 = tpu.memref_slice %arg7[%dma_start3A, %dma_start3A_9] : memref<40x125xi32, #tpu.memory_space<vmem>> -> memref<1x125xi32, #tpu.memory_space<vmem>>
    %dma_start3A_11 = tpu.memref_squeeze %dma_start3A_10 : memref<1x125xi32, #tpu.memory_space<vmem>> -> memref<125xi32, #tpu.memory_space<vmem>>
    %dma_start3A_12 = arith.constant 0 : i32
    %dma_start3A_13 = arith.constant 0 : i32
    %dma_start3A_14 = tpu.memref_slice %arg2[%dma_start3A_12, %dma_start3A_13] : memref<10000x64xf32, #tpu.memory_space<hbm>> -> memref<10000x64xf32, #tpu.memory_space<hbm>>
    tpu.enqueue_indirect_dma source(%dma_start3A_14 : memref<10000x64xf32, #tpu.memory_space<hbm>>) target(%dma_start3A_8 : memref<125x64xf32, #tpu.memory_space<vmem>>) offsets(%dma_start3A_11 : memref<125xi32, #tpu.memory_space<vmem>>) semaphore(%arg11 : memref<!tpu.dma_semaphore, #tpu.memory_space<semaphore_mem>>)
    %rem3A_15 = arith.constant 1 : i32
    %rem3A_16 = arith.constant 4 : i32
    %rem3A_17 = arith.remsi %rem3A_15, %rem3A_16 : i32
    %mul3A_18 = arith.constant 125 : i32
    %mul3A_19 = arith.muli %rem3A_17, %mul3A_18 : i32
    %dma_start3A_20 = arith.constant 1 : i32
    %dma_start3A_21 = arith.constant 0 : i32
    %dma_start3A_22 = tpu.memref_slice %arg9[%mul3A_19, %dma_start3A_21] : memref<500x64xf32, #tpu.memory_space<vmem>> -> memref<125x64xf32, #tpu.memory_space<vmem>>
    %dma_start3A_23 = arith.constant 0 : i32
    %dma_start3A_24 = tpu.memref_slice %arg7[%dma_start3A_20, %dma_start3A_23] : memref<40x125xi32, #tpu.memory_space<vmem>> -> memref<1x125xi32, #tpu.memory_space<vmem>>
    %dma_start3A_25 = tpu.memref_squeeze %dma_start3A_24 : memref<1x125xi32, #tpu.memory_space<vmem>> -> memref<125xi32, #tpu.memory_space<vmem>>
    %dma_start3A_26 = arith.constant 0 : i32
    %dma_start3A_27 = arith.constant 0 : i32
    %dma_start3A_28 = tpu.memref_slice %arg2[%dma_start3A_26, %dma_start3A_27] : memref<10000x64xf32, #tpu.memory_space<hbm>> -> memref<10000x64xf32, #tpu.memory_space<hbm>>
    tpu.enqueue_indirect_dma source(%dma_start3A_28 : memref<10000x64xf32, #tpu.memory_space<hbm>>) target(%dma_start3A_22 : memref<125x64xf32, #tpu.memory_space<vmem>>) offsets(%dma_start3A_25 : memref<125xi32, #tpu.memory_space<vmem>>) semaphore(%arg11 : memref<!tpu.dma_semaphore, #tpu.memory_space<semaphore_mem>>)
    %scan3A = arith.constant 0 : i32
    %scan3A_29 = arith.constant 0 : i32
    %scan3A_30 = arith.constant 40 : i32
    %scan3A_31 = arith.addi %scan3A_29, %scan3A_30 : i32
    %scan3A_32 = arith.constant 1 : i32
    scf.for %scan3A_45 = %scan3A_29 to %scan3A_31 step %scan3A_32  : i32 {
      %add3A_46 = arith.constant 2 : i32
      %add3A_47 = arith.addi %scan3A_45, %add3A_46 : i32
      %lt3A = arith.constant 40 : i32
      %lt3A_48 = arith.cmpi slt, %add3A_47, %lt3A : i32
      %convert_element_type3A = arith.extui %lt3A_48 : i1 to i32
      %cond3A = arith.constant 0 : i32
      %cond3A_49 = arith.cmpi ne, %convert_element_type3A, %cond3A : i32
      scf.if %cond3A_49 {
        %ge3A = arith.constant 2 : i32
        %ge3A_73 = arith.cmpi sge, %scan3A_45, %ge3A : i32
        %convert_element_type3A_74 = arith.extui %ge3A_73 : i1 to i32
        %cond3A_75 = arith.constant 0 : i32
        %cond3A_76 = arith.cmpi ne, %convert_element_type3A_74, %cond3A_75 : i32
        scf.if %cond3A_76 {
          %rem3A_89 = arith.constant 4 : i32
          %rem3A_90 = arith.remsi %scan3A_45, %rem3A_89 : i32
          %mul3A_91 = arith.constant 125 : i32
          %mul3A_92 = arith.muli %rem3A_90, %mul3A_91 : i32
          %dma_wait3A_93 = arith.constant 0 : i32
          %dma_wait3A_94 = tpu.memref_slice %arg9[%mul3A_92, %dma_wait3A_93] : memref<500x64xf32, #tpu.memory_space<vmem>> -> memref<125x64xf32, #tpu.memory_space<vmem>>
          %dma_wait3A_95 = arith.constant 0 : i32
          %dma_wait3A_96 = tpu.memref_slice %arg8[%scan3A_45, %dma_wait3A_95] : memref<40x125xi32, #tpu.memory_space<vmem>> -> memref<1x125xi32, #tpu.memory_space<vmem>>
          %dma_wait3A_97 = tpu.memref_squeeze %dma_wait3A_96 : memref<1x125xi32, #tpu.memory_space<vmem>> -> memref<125xi32, #tpu.memory_space<vmem>>
          %dma_wait3A_98 = arith.constant 0 : i32
          %dma_wait3A_99 = arith.constant 0 : i32
          %dma_wait3A_100 = tpu.memref_slice %arg10[%dma_wait3A_98, %dma_wait3A_99] : memref<10240x64xf32, #tpu.memory_space<vmem_shared>> -> memref<10240x64xf32, #tpu.memory_space<vmem_shared>>
          tpu.wait_indirect_dma semaphore(%arg12 : memref<!tpu.dma_semaphore, #tpu.memory_space<semaphore_mem>>) src(%dma_wait3A_94 : memref<125x64xf32, #tpu.memory_space<vmem>>) dst(%dma_wait3A_100 : memref<10240x64xf32, #tpu.memory_space<vmem_shared>>)
        } else {
        }
        %rem3A_77 = arith.constant 4 : i32
        %rem3A_78 = arith.remsi %add3A_47, %rem3A_77 : i32
        %mul3A_79 = arith.constant 125 : i32
        %mul3A_80 = arith.muli %rem3A_78, %mul3A_79 : i32
        %dma_start3A_81 = arith.constant 0 : i32
        %dma_start3A_82 = tpu.memref_slice %arg9[%mul3A_80, %dma_start3A_81] : memref<500x64xf32, #tpu.memory_space<vmem>> -> memref<125x64xf32, #tpu.memory_space<vmem>>
        %dma_start3A_83 = arith.constant 0 : i32
        %dma_start3A_84 = tpu.memref_slice %arg7[%add3A_47, %dma_start3A_83] : memref<40x125xi32, #tpu.memory_space<vmem>> -> memref<1x125xi32, #tpu.memory_space<vmem>>
        %dma_start3A_85 = tpu.memref_squeeze %dma_start3A_84 : memref<1x125xi32, #tpu.memory_space<vmem>> -> memref<125xi32, #tpu.memory_space<vmem>>
        %dma_start3A_86 = arith.constant 0 : i32
        %dma_start3A_87 = arith.constant 0 : i32
        %dma_start3A_88 = tpu.memref_slice %arg2[%dma_start3A_86, %dma_start3A_87] : memref<10000x64xf32, #tpu.memory_space<hbm>> -> memref<10000x64xf32, #tpu.memory_space<hbm>>
        tpu.enqueue_indirect_dma source(%dma_start3A_88 : memref<10000x64xf32, #tpu.memory_space<hbm>>) target(%dma_start3A_82 : memref<125x64xf32, #tpu.memory_space<vmem>>) offsets(%dma_start3A_85 : memref<125xi32, #tpu.memory_space<vmem>>) semaphore(%arg11 : memref<!tpu.dma_semaphore, #tpu.memory_space<semaphore_mem>>)
      } else {
      }
      %rem3A_50 = arith.constant 4 : i32
      %rem3A_51 = arith.remsi %scan3A_45, %rem3A_50 : i32
      %mul3A_52 = arith.constant 125 : i32
      %mul3A_53 = arith.muli %rem3A_51, %mul3A_52 : i32
      %dma_wait3A = arith.constant 0 : i32
      %dma_wait3A_54 = tpu.memref_slice %arg9[%mul3A_53, %dma_wait3A] : memref<500x64xf32, #tpu.memory_space<vmem>> -> memref<125x64xf32, #tpu.memory_space<vmem>>
      %dma_wait3A_55 = arith.constant 0 : i32
      %dma_wait3A_56 = tpu.memref_slice %arg7[%scan3A_45, %dma_wait3A_55] : memref<40x125xi32, #tpu.memory_space<vmem>> -> memref<1x125xi32, #tpu.memory_space<vmem>>
      %dma_wait3A_57 = tpu.memref_squeeze %dma_wait3A_56 : memref<1x125xi32, #tpu.memory_space<vmem>> -> memref<125xi32, #tpu.memory_space<vmem>>
      %dma_wait3A_58 = arith.constant 0 : i32
      %dma_wait3A_59 = arith.constant 0 : i32
      %dma_wait3A_60 = tpu.memref_slice %arg2[%dma_wait3A_58, %dma_wait3A_59] : memref<10000x64xf32, #tpu.memory_space<hbm>> -> memref<10000x64xf32, #tpu.memory_space<hbm>>
      tpu.wait_indirect_dma semaphore(%arg11 : memref<!tpu.dma_semaphore, #tpu.memory_space<semaphore_mem>>) src(%dma_wait3A_60 : memref<10000x64xf32, #tpu.memory_space<hbm>>) dst(%dma_wait3A_54 : memref<125x64xf32, #tpu.memory_space<vmem>>)
      %rem3A_61 = arith.constant 4 : i32
      %rem3A_62 = arith.remsi %scan3A_45, %rem3A_61 : i32
      %mul3A_63 = arith.constant 125 : i32
      %mul3A_64 = arith.muli %rem3A_62, %mul3A_63 : i32
      %dma_start3A_65 = arith.constant 0 : i32
      %dma_start3A_66 = tpu.memref_slice %arg9[%mul3A_64, %dma_start3A_65] : memref<500x64xf32, #tpu.memory_space<vmem>> -> memref<125x64xf32, #tpu.memory_space<vmem>>
      %dma_start3A_67 = arith.constant 0 : i32
      %dma_start3A_68 = tpu.memref_slice %arg8[%scan3A_45, %dma_start3A_67] : memref<40x125xi32, #tpu.memory_space<vmem>> -> memref<1x125xi32, #tpu.memory_space<vmem>>
      %dma_start3A_69 = tpu.memref_squeeze %dma_start3A_68 : memref<1x125xi32, #tpu.memory_space<vmem>> -> memref<125xi32, #tpu.memory_space<vmem>>
      %dma_start3A_70 = arith.constant 0 : i32
      %dma_start3A_71 = arith.constant 0 : i32
      %dma_start3A_72 = tpu.memref_slice %arg10[%dma_start3A_70, %dma_start3A_71] : memref<10240x64xf32, #tpu.memory_space<vmem_shared>> -> memref<10240x64xf32, #tpu.memory_space<vmem_shared>>
      tpu.enqueue_indirect_dma source(%dma_start3A_66 : memref<125x64xf32, #tpu.memory_space<vmem>>) target(%dma_start3A_72 : memref<10240x64xf32, #tpu.memory_space<vmem_shared>>) offsets(%dma_start3A_69 : memref<125xi32, #tpu.memory_space<vmem>>) semaphore(%arg12 : memref<!tpu.dma_semaphore, #tpu.memory_space<semaphore_mem>>) {add = true}
    }
    %scan3A_33 = arith.constant 40 : i32
    %scan3A_34 = arith.constant 0 : i32
    %scan3A_35 = arith.constant 0 : i32
    %scan3A_36 = arith.constant 4 : i32
    %scan3A_37 = arith.addi %scan3A_35, %scan3A_36 : i32
    %scan3A_38 = arith.constant 1 : i32
    scf.for %scan3A_45 = %scan3A_35 to %scan3A_37 step %scan3A_38  : i32 {
      %rem3A_46 = arith.constant 0 : i32
      %rem3A_47 = arith.constant 4 : i32
      %rem3A_48 = arith.remsi %rem3A_46, %rem3A_47 : i32
      %mul3A_49 = arith.constant 125 : i32
      %mul3A_50 = arith.muli %rem3A_48, %mul3A_49 : i32
      %dma_wait3A = arith.constant 0 : i32
      %dma_wait3A_51 = arith.constant 0 : i32
      %dma_wait3A_52 = tpu.memref_slice %arg9[%mul3A_50, %dma_wait3A_51] : memref<500x64xf32, #tpu.memory_space<vmem>> -> memref<125x64xf32, #tpu.memory_space<vmem>>
      %dma_wait3A_53 = arith.constant 0 : i32
      %dma_wait3A_54 = tpu.memref_slice %arg8[%dma_wait3A, %dma_wait3A_53] : memref<40x125xi32, #tpu.memory_space<vmem>> -> memref<1x125xi32, #tpu.memory_space<vmem>>
      %dma_wait3A_55 = tpu.memref_squeeze %dma_wait3A_54 : memref<1x125xi32, #tpu.memory_space<vmem>> -> memref<125xi32, #tpu.memory_space<vmem>>
      %dma_wait3A_56 = arith.constant 0 : i32
      %dma_wait3A_57 = arith.constant 0 : i32
      %dma_wait3A_58 = tpu.memref_slice %arg10[%dma_wait3A_56, %dma_wait3A_57] : memref<10240x64xf32, #tpu.memory_space<vmem_shared>> -> memref<10240x64xf32, #tpu.memory_space<vmem_shared>>
      tpu.wait_indirect_dma semaphore(%arg12 : memref<!tpu.dma_semaphore, #tpu.memory_space<semaphore_mem>>) src(%dma_wait3A_52 : memref<125x64xf32, #tpu.memory_space<vmem>>) dst(%dma_wait3A_58 : memref<10240x64xf32, #tpu.memory_space<vmem_shared>>)
    }
    %scan3A_39 = arith.constant 4 : i32
    %barrier3A_40 = arith.constant 0 : index
    tpu.barrier barrier_id(%barrier3A_40)
    %mul3A_41 = arith.constant 640 : i32
    %mul3A_42 = arith.muli %arg1, %mul3A_41 : i32
    %mul3A_43 = arith.constant 640 : i32
    %mul3A_44 = arith.muli %arg1, %mul3A_43 : i32
    "tpu.region"() ({
      %run_scoped3A = tpu.sem_alloc : memref<!tpu.dma_semaphore, #tpu.memory_space<semaphore_mem>>
      %dma_start3A_45 = arith.constant 0 : i32
      %dma_start3A_46 = arith.constant 0 : i32
      %dma_start3A_47 = tpu.memref_slice %arg6[%arg0, %dma_start3A_45, %dma_start3A_46] : memref<2x10240x64xf32, #tpu.memory_space<hbm>> -> memref<1x10240x64xf32, #tpu.memory_space<hbm>>
      %dma_start3A_48 = tpu.memref_squeeze %dma_start3A_47 : memref<1x10240x64xf32, #tpu.memory_space<hbm>> -> memref<10240x64xf32, #tpu.memory_space<hbm>>
      %dma_start3A_49 = arith.constant 0 : i32
      %dma_start3A_50 = tpu.memref_slice %dma_start3A_48[%mul3A_44, %dma_start3A_49] : memref<10240x64xf32, #tpu.memory_space<hbm>> -> memref<640x64xf32, #tpu.memory_space<hbm>>
      %dma_start3A_51 = arith.constant 0 : i32
      %dma_start3A_52 = tpu.memref_slice %arg10[%mul3A_42, %dma_start3A_51] : memref<10240x64xf32, #tpu.memory_space<vmem_shared>> -> memref<640x64xf32, #tpu.memory_space<vmem_shared>>
      tpu.enqueue_dma source(%dma_start3A_52 : memref<640x64xf32, #tpu.memory_space<vmem_shared>>) target(%dma_start3A_50 : memref<640x64xf32, #tpu.memory_space<hbm>>) target_semaphore(%run_scoped3A : memref<!tpu.dma_semaphore, #tpu.memory_space<semaphore_mem>>)
      %dma_wait3A = arith.constant 0 : i32
      %dma_wait3A_53 = arith.constant 0 : i32
      %dma_wait3A_54 = tpu.memref_slice %arg6[%arg0, %dma_wait3A, %dma_wait3A_53] : memref<2x10240x64xf32, #tpu.memory_space<hbm>> -> memref<1x10240x64xf32, #tpu.memory_space<hbm>>
      %dma_wait3A_55 = tpu.memref_squeeze %dma_wait3A_54 : memref<1x10240x64xf32, #tpu.memory_space<hbm>> -> memref<10240x64xf32, #tpu.memory_space<hbm>>
      %dma_wait3A_56 = arith.constant 0 : i32
      %dma_wait3A_57 = tpu.memref_slice %dma_wait3A_55[%mul3A_44, %dma_wait3A_56] : memref<10240x64xf32, #tpu.memory_space<hbm>> -> memref<640x64xf32, #tpu.memory_space<hbm>>
      %dma_wait3A_58 = arith.constant 0 : i32
      %dma_wait3A_59 = tpu.memref_slice %arg10[%mul3A_42, %dma_wait3A_58] : memref<10240x64xf32, #tpu.memory_space<vmem_shared>> -> memref<640x64xf32, #tpu.memory_space<vmem_shared>>
      tpu.wait_dma2 semaphore(%run_scoped3A : memref<!tpu.dma_semaphore, #tpu.memory_space<semaphore_mem>>) src(%dma_wait3A_59 : memref<640x64xf32, #tpu.memory_space<vmem_shared>>) dst(%dma_wait3A_57 : memref<640x64xf32, #tpu.memory_space<hbm>>)
      tpu.yield
    }) : () -> ()
    return
  }
}

#map = affine_map<(d0, d1) -> (0, 0)>
#map1 = affine_map<(d0, d1) -> (0, 0, 0)>
module attributes {stable_mosaic.version = 14 : i64} {
  func.func @gcn_sc_scatter_16(%arg0: i32, %arg1: i32, %arg2: memref<10000x16xf32, #tpu.memory_space<hbm>>, %arg3: memref<32x40x125xi32, #tpu.memory_space<hbm>>, %arg4: memref<32x40x125xi32, #tpu.memory_space<hbm>>, %arg5: memref<640x16xf32, #tpu.memory_space<hbm>>, %arg6: memref<2x10240x16xf32, #tpu.memory_space<hbm>>, %arg7: memref<40x125xi32, #tpu.memory_space<vmem>>, %arg8: memref<40x125xi32, #tpu.memory_space<vmem>>, %arg9: memref<500x16xf32, #tpu.memory_space<vmem>>, %arg10: memref<10240x16xf32, #tpu.memory_space<vmem_shared>>, %arg11: memref<!tpu.dma_semaphore, #tpu.memory_space<semaphore_mem>>, %arg12: memref<!tpu.dma_semaphore, #tpu.memory_space<semaphore_mem>>) attributes {dimension_semantics = [#tpu.dimension_semantics<core_parallel>, #tpu.dimension_semantics<subcore_parallel>], iteration_bounds = array<i64: 2, 16>, scalar_prefetch = 0 : i64, scratch_operands = 6 : i64, tpu.core_type = #tpu.core_type<sc_vector_subcore>, window_params = [{transform_indices = #map}, {transform_indices = #map1}, {transform_indices = #map1}, {transform_indices = #map}, {transform_indices = #map1}]} {
    %mul3A = arith.constant 16 : i32
    %mul3A_0 = arith.muli %arg0, %mul3A : i32
    %add3A = arith.addi %mul3A_0, %arg1 : i32
    %mul3A_1 = arith.constant 640 : i32
    %mul3A_2 = arith.muli %arg1, %mul3A_1 : i32
    "tpu.region"() ({
      %run_scoped3A = tpu.sem_alloc : memref<!tpu.dma_semaphore, #tpu.memory_space<semaphore_mem>>
      %dma_start3A_45 = arith.constant 0 : i32
      %dma_start3A_46 = tpu.memref_slice %arg10[%mul3A_2, %dma_start3A_45] : memref<10240x16xf32, #tpu.memory_space<vmem_shared>> -> memref<640x16xf32, #tpu.memory_space<vmem_shared>>
      tpu.enqueue_dma source(%arg5 : memref<640x16xf32, #tpu.memory_space<hbm>>) target(%dma_start3A_46 : memref<640x16xf32, #tpu.memory_space<vmem_shared>>) target_semaphore(%run_scoped3A : memref<!tpu.dma_semaphore, #tpu.memory_space<semaphore_mem>>)
      %dma_wait3A = arith.constant 0 : i32
      %dma_wait3A_47 = tpu.memref_slice %arg10[%mul3A_2, %dma_wait3A] : memref<10240x16xf32, #tpu.memory_space<vmem_shared>> -> memref<640x16xf32, #tpu.memory_space<vmem_shared>>
      tpu.wait_dma2 semaphore(%run_scoped3A : memref<!tpu.dma_semaphore, #tpu.memory_space<semaphore_mem>>) src(%arg5 : memref<640x16xf32, #tpu.memory_space<hbm>>) dst(%dma_wait3A_47 : memref<640x16xf32, #tpu.memory_space<vmem_shared>>)
      tpu.yield
    }) : () -> ()
    "tpu.region"() ({
      %run_scoped3A = tpu.sem_alloc : memref<!tpu.dma_semaphore, #tpu.memory_space<semaphore_mem>>
      %dma_start3A_45 = arith.constant 0 : i32
      %dma_start3A_46 = arith.constant 0 : i32
      %dma_start3A_47 = tpu.memref_slice %arg3[%add3A, %dma_start3A_45, %dma_start3A_46] : memref<32x40x125xi32, #tpu.memory_space<hbm>> -> memref<1x40x125xi32, #tpu.memory_space<hbm>>
      %dma_start3A_48 = tpu.memref_squeeze %dma_start3A_47 : memref<1x40x125xi32, #tpu.memory_space<hbm>> -> memref<40x125xi32, #tpu.memory_space<hbm>>
      %dma_start3A_49 = arith.constant 0 : i32
      %dma_start3A_50 = arith.constant 0 : i32
      %dma_start3A_51 = tpu.memref_slice %arg3[%add3A, %dma_start3A_49, %dma_start3A_50] : memref<32x40x125xi32, #tpu.memory_space<hbm>> -> memref<1x40x125xi32, #tpu.memory_space<hbm>>
      %dma_start3A_52 = tpu.memref_squeeze %dma_start3A_51 : memref<1x40x125xi32, #tpu.memory_space<hbm>> -> memref<40x125xi32, #tpu.memory_space<hbm>>
      tpu.enqueue_dma source(%dma_start3A_52 : memref<40x125xi32, #tpu.memory_space<hbm>>) target(%arg7 : memref<40x125xi32, #tpu.memory_space<vmem>>) target_semaphore(%run_scoped3A : memref<!tpu.dma_semaphore, #tpu.memory_space<semaphore_mem>>)
      %dma_wait3A = arith.constant 0 : i32
      %dma_wait3A_53 = arith.constant 0 : i32
      %dma_wait3A_54 = tpu.memref_slice %arg3[%add3A, %dma_wait3A, %dma_wait3A_53] : memref<32x40x125xi32, #tpu.memory_space<hbm>> -> memref<1x40x125xi32, #tpu.memory_space<hbm>>
      %dma_wait3A_55 = tpu.memref_squeeze %dma_wait3A_54 : memref<1x40x125xi32, #tpu.memory_space<hbm>> -> memref<40x125xi32, #tpu.memory_space<hbm>>
      %dma_wait3A_56 = arith.constant 0 : i32
      %dma_wait3A_57 = arith.constant 0 : i32
      %dma_wait3A_58 = tpu.memref_slice %arg3[%add3A, %dma_wait3A_56, %dma_wait3A_57] : memref<32x40x125xi32, #tpu.memory_space<hbm>> -> memref<1x40x125xi32, #tpu.memory_space<hbm>>
      %dma_wait3A_59 = tpu.memref_squeeze %dma_wait3A_58 : memref<1x40x125xi32, #tpu.memory_space<hbm>> -> memref<40x125xi32, #tpu.memory_space<hbm>>
      tpu.wait_dma2 semaphore(%run_scoped3A : memref<!tpu.dma_semaphore, #tpu.memory_space<semaphore_mem>>) src(%dma_wait3A_59 : memref<40x125xi32, #tpu.memory_space<hbm>>) dst(%arg7 : memref<40x125xi32, #tpu.memory_space<vmem>>)
      tpu.yield
    }) : () -> ()
    "tpu.region"() ({
      %run_scoped3A = tpu.sem_alloc : memref<!tpu.dma_semaphore, #tpu.memory_space<semaphore_mem>>
      %dma_start3A_45 = arith.constant 0 : i32
      %dma_start3A_46 = arith.constant 0 : i32
      %dma_start3A_47 = tpu.memref_slice %arg4[%add3A, %dma_start3A_45, %dma_start3A_46] : memref<32x40x125xi32, #tpu.memory_space<hbm>> -> memref<1x40x125xi32, #tpu.memory_space<hbm>>
      %dma_start3A_48 = tpu.memref_squeeze %dma_start3A_47 : memref<1x40x125xi32, #tpu.memory_space<hbm>> -> memref<40x125xi32, #tpu.memory_space<hbm>>
      %dma_start3A_49 = arith.constant 0 : i32
      %dma_start3A_50 = arith.constant 0 : i32
      %dma_start3A_51 = tpu.memref_slice %arg4[%add3A, %dma_start3A_49, %dma_start3A_50] : memref<32x40x125xi32, #tpu.memory_space<hbm>> -> memref<1x40x125xi32, #tpu.memory_space<hbm>>
      %dma_start3A_52 = tpu.memref_squeeze %dma_start3A_51 : memref<1x40x125xi32, #tpu.memory_space<hbm>> -> memref<40x125xi32, #tpu.memory_space<hbm>>
      tpu.enqueue_dma source(%dma_start3A_52 : memref<40x125xi32, #tpu.memory_space<hbm>>) target(%arg8 : memref<40x125xi32, #tpu.memory_space<vmem>>) target_semaphore(%run_scoped3A : memref<!tpu.dma_semaphore, #tpu.memory_space<semaphore_mem>>)
      %dma_wait3A = arith.constant 0 : i32
      %dma_wait3A_53 = arith.constant 0 : i32
      %dma_wait3A_54 = tpu.memref_slice %arg4[%add3A, %dma_wait3A, %dma_wait3A_53] : memref<32x40x125xi32, #tpu.memory_space<hbm>> -> memref<1x40x125xi32, #tpu.memory_space<hbm>>
      %dma_wait3A_55 = tpu.memref_squeeze %dma_wait3A_54 : memref<1x40x125xi32, #tpu.memory_space<hbm>> -> memref<40x125xi32, #tpu.memory_space<hbm>>
      %dma_wait3A_56 = arith.constant 0 : i32
      %dma_wait3A_57 = arith.constant 0 : i32
      %dma_wait3A_58 = tpu.memref_slice %arg4[%add3A, %dma_wait3A_56, %dma_wait3A_57] : memref<32x40x125xi32, #tpu.memory_space<hbm>> -> memref<1x40x125xi32, #tpu.memory_space<hbm>>
      %dma_wait3A_59 = tpu.memref_squeeze %dma_wait3A_58 : memref<1x40x125xi32, #tpu.memory_space<hbm>> -> memref<40x125xi32, #tpu.memory_space<hbm>>
      tpu.wait_dma2 semaphore(%run_scoped3A : memref<!tpu.dma_semaphore, #tpu.memory_space<semaphore_mem>>) src(%dma_wait3A_59 : memref<40x125xi32, #tpu.memory_space<hbm>>) dst(%arg8 : memref<40x125xi32, #tpu.memory_space<vmem>>)
      tpu.yield
    }) : () -> ()
    %barrier3A = arith.constant 0 : index
    tpu.barrier barrier_id(%barrier3A)
    %rem3A = arith.constant 0 : i32
    %rem3A_3 = arith.constant 4 : i32
    %rem3A_4 = arith.remsi %rem3A, %rem3A_3 : i32
    %mul3A_5 = arith.constant 125 : i32
    %mul3A_6 = arith.muli %rem3A_4, %mul3A_5 : i32
    %dma_start3A = arith.constant 0 : i32
    %dma_start3A_7 = arith.constant 0 : i32
    %dma_start3A_8 = tpu.memref_slice %arg9[%mul3A_6, %dma_start3A_7] : memref<500x16xf32, #tpu.memory_space<vmem>> -> memref<125x16xf32, #tpu.memory_space<vmem>>
    %dma_start3A_9 = arith.constant 0 : i32
    %dma_start3A_10 = tpu.memref_slice %arg7[%dma_start3A, %dma_start3A_9] : memref<40x125xi32, #tpu.memory_space<vmem>> -> memref<1x125xi32, #tpu.memory_space<vmem>>
    %dma_start3A_11 = tpu.memref_squeeze %dma_start3A_10 : memref<1x125xi32, #tpu.memory_space<vmem>> -> memref<125xi32, #tpu.memory_space<vmem>>
    %dma_start3A_12 = arith.constant 0 : i32
    %dma_start3A_13 = arith.constant 0 : i32
    %dma_start3A_14 = tpu.memref_slice %arg2[%dma_start3A_12, %dma_start3A_13] : memref<10000x16xf32, #tpu.memory_space<hbm>> -> memref<10000x16xf32, #tpu.memory_space<hbm>>
    tpu.enqueue_indirect_dma source(%dma_start3A_14 : memref<10000x16xf32, #tpu.memory_space<hbm>>) target(%dma_start3A_8 : memref<125x16xf32, #tpu.memory_space<vmem>>) offsets(%dma_start3A_11 : memref<125xi32, #tpu.memory_space<vmem>>) semaphore(%arg11 : memref<!tpu.dma_semaphore, #tpu.memory_space<semaphore_mem>>)
    %rem3A_15 = arith.constant 1 : i32
    %rem3A_16 = arith.constant 4 : i32
    %rem3A_17 = arith.remsi %rem3A_15, %rem3A_16 : i32
    %mul3A_18 = arith.constant 125 : i32
    %mul3A_19 = arith.muli %rem3A_17, %mul3A_18 : i32
    %dma_start3A_20 = arith.constant 1 : i32
    %dma_start3A_21 = arith.constant 0 : i32
    %dma_start3A_22 = tpu.memref_slice %arg9[%mul3A_19, %dma_start3A_21] : memref<500x16xf32, #tpu.memory_space<vmem>> -> memref<125x16xf32, #tpu.memory_space<vmem>>
    %dma_start3A_23 = arith.constant 0 : i32
    %dma_start3A_24 = tpu.memref_slice %arg7[%dma_start3A_20, %dma_start3A_23] : memref<40x125xi32, #tpu.memory_space<vmem>> -> memref<1x125xi32, #tpu.memory_space<vmem>>
    %dma_start3A_25 = tpu.memref_squeeze %dma_start3A_24 : memref<1x125xi32, #tpu.memory_space<vmem>> -> memref<125xi32, #tpu.memory_space<vmem>>
    %dma_start3A_26 = arith.constant 0 : i32
    %dma_start3A_27 = arith.constant 0 : i32
    %dma_start3A_28 = tpu.memref_slice %arg2[%dma_start3A_26, %dma_start3A_27] : memref<10000x16xf32, #tpu.memory_space<hbm>> -> memref<10000x16xf32, #tpu.memory_space<hbm>>
    tpu.enqueue_indirect_dma source(%dma_start3A_28 : memref<10000x16xf32, #tpu.memory_space<hbm>>) target(%dma_start3A_22 : memref<125x16xf32, #tpu.memory_space<vmem>>) offsets(%dma_start3A_25 : memref<125xi32, #tpu.memory_space<vmem>>) semaphore(%arg11 : memref<!tpu.dma_semaphore, #tpu.memory_space<semaphore_mem>>)
    %scan3A = arith.constant 0 : i32
    %scan3A_29 = arith.constant 0 : i32
    %scan3A_30 = arith.constant 40 : i32
    %scan3A_31 = arith.addi %scan3A_29, %scan3A_30 : i32
    %scan3A_32 = arith.constant 1 : i32
    scf.for %scan3A_45 = %scan3A_29 to %scan3A_31 step %scan3A_32  : i32 {
      %add3A_46 = arith.constant 2 : i32
      %add3A_47 = arith.addi %scan3A_45, %add3A_46 : i32
      %lt3A = arith.constant 40 : i32
      %lt3A_48 = arith.cmpi slt, %add3A_47, %lt3A : i32
      %convert_element_type3A = arith.extui %lt3A_48 : i1 to i32
      %cond3A = arith.constant 0 : i32
      %cond3A_49 = arith.cmpi ne, %convert_element_type3A, %cond3A : i32
      scf.if %cond3A_49 {
        %ge3A = arith.constant 2 : i32
        %ge3A_73 = arith.cmpi sge, %scan3A_45, %ge3A : i32
        %convert_element_type3A_74 = arith.extui %ge3A_73 : i1 to i32
        %cond3A_75 = arith.constant 0 : i32
        %cond3A_76 = arith.cmpi ne, %convert_element_type3A_74, %cond3A_75 : i32
        scf.if %cond3A_76 {
          %rem3A_89 = arith.constant 4 : i32
          %rem3A_90 = arith.remsi %scan3A_45, %rem3A_89 : i32
          %mul3A_91 = arith.constant 125 : i32
          %mul3A_92 = arith.muli %rem3A_90, %mul3A_91 : i32
          %dma_wait3A_93 = arith.constant 0 : i32
          %dma_wait3A_94 = tpu.memref_slice %arg9[%mul3A_92, %dma_wait3A_93] : memref<500x16xf32, #tpu.memory_space<vmem>> -> memref<125x16xf32, #tpu.memory_space<vmem>>
          %dma_wait3A_95 = arith.constant 0 : i32
          %dma_wait3A_96 = tpu.memref_slice %arg8[%scan3A_45, %dma_wait3A_95] : memref<40x125xi32, #tpu.memory_space<vmem>> -> memref<1x125xi32, #tpu.memory_space<vmem>>
          %dma_wait3A_97 = tpu.memref_squeeze %dma_wait3A_96 : memref<1x125xi32, #tpu.memory_space<vmem>> -> memref<125xi32, #tpu.memory_space<vmem>>
          %dma_wait3A_98 = arith.constant 0 : i32
          %dma_wait3A_99 = arith.constant 0 : i32
          %dma_wait3A_100 = tpu.memref_slice %arg10[%dma_wait3A_98, %dma_wait3A_99] : memref<10240x16xf32, #tpu.memory_space<vmem_shared>> -> memref<10240x16xf32, #tpu.memory_space<vmem_shared>>
          tpu.wait_indirect_dma semaphore(%arg12 : memref<!tpu.dma_semaphore, #tpu.memory_space<semaphore_mem>>) src(%dma_wait3A_94 : memref<125x16xf32, #tpu.memory_space<vmem>>) dst(%dma_wait3A_100 : memref<10240x16xf32, #tpu.memory_space<vmem_shared>>)
        } else {
        }
        %rem3A_77 = arith.constant 4 : i32
        %rem3A_78 = arith.remsi %add3A_47, %rem3A_77 : i32
        %mul3A_79 = arith.constant 125 : i32
        %mul3A_80 = arith.muli %rem3A_78, %mul3A_79 : i32
        %dma_start3A_81 = arith.constant 0 : i32
        %dma_start3A_82 = tpu.memref_slice %arg9[%mul3A_80, %dma_start3A_81] : memref<500x16xf32, #tpu.memory_space<vmem>> -> memref<125x16xf32, #tpu.memory_space<vmem>>
        %dma_start3A_83 = arith.constant 0 : i32
        %dma_start3A_84 = tpu.memref_slice %arg7[%add3A_47, %dma_start3A_83] : memref<40x125xi32, #tpu.memory_space<vmem>> -> memref<1x125xi32, #tpu.memory_space<vmem>>
        %dma_start3A_85 = tpu.memref_squeeze %dma_start3A_84 : memref<1x125xi32, #tpu.memory_space<vmem>> -> memref<125xi32, #tpu.memory_space<vmem>>
        %dma_start3A_86 = arith.constant 0 : i32
        %dma_start3A_87 = arith.constant 0 : i32
        %dma_start3A_88 = tpu.memref_slice %arg2[%dma_start3A_86, %dma_start3A_87] : memref<10000x16xf32, #tpu.memory_space<hbm>> -> memref<10000x16xf32, #tpu.memory_space<hbm>>
        tpu.enqueue_indirect_dma source(%dma_start3A_88 : memref<10000x16xf32, #tpu.memory_space<hbm>>) target(%dma_start3A_82 : memref<125x16xf32, #tpu.memory_space<vmem>>) offsets(%dma_start3A_85 : memref<125xi32, #tpu.memory_space<vmem>>) semaphore(%arg11 : memref<!tpu.dma_semaphore, #tpu.memory_space<semaphore_mem>>)
      } else {
      }
      %rem3A_50 = arith.constant 4 : i32
      %rem3A_51 = arith.remsi %scan3A_45, %rem3A_50 : i32
      %mul3A_52 = arith.constant 125 : i32
      %mul3A_53 = arith.muli %rem3A_51, %mul3A_52 : i32
      %dma_wait3A = arith.constant 0 : i32
      %dma_wait3A_54 = tpu.memref_slice %arg9[%mul3A_53, %dma_wait3A] : memref<500x16xf32, #tpu.memory_space<vmem>> -> memref<125x16xf32, #tpu.memory_space<vmem>>
      %dma_wait3A_55 = arith.constant 0 : i32
      %dma_wait3A_56 = tpu.memref_slice %arg7[%scan3A_45, %dma_wait3A_55] : memref<40x125xi32, #tpu.memory_space<vmem>> -> memref<1x125xi32, #tpu.memory_space<vmem>>
      %dma_wait3A_57 = tpu.memref_squeeze %dma_wait3A_56 : memref<1x125xi32, #tpu.memory_space<vmem>> -> memref<125xi32, #tpu.memory_space<vmem>>
      %dma_wait3A_58 = arith.constant 0 : i32
      %dma_wait3A_59 = arith.constant 0 : i32
      %dma_wait3A_60 = tpu.memref_slice %arg2[%dma_wait3A_58, %dma_wait3A_59] : memref<10000x16xf32, #tpu.memory_space<hbm>> -> memref<10000x16xf32, #tpu.memory_space<hbm>>
      tpu.wait_indirect_dma semaphore(%arg11 : memref<!tpu.dma_semaphore, #tpu.memory_space<semaphore_mem>>) src(%dma_wait3A_60 : memref<10000x16xf32, #tpu.memory_space<hbm>>) dst(%dma_wait3A_54 : memref<125x16xf32, #tpu.memory_space<vmem>>)
      %rem3A_61 = arith.constant 4 : i32
      %rem3A_62 = arith.remsi %scan3A_45, %rem3A_61 : i32
      %mul3A_63 = arith.constant 125 : i32
      %mul3A_64 = arith.muli %rem3A_62, %mul3A_63 : i32
      %dma_start3A_65 = arith.constant 0 : i32
      %dma_start3A_66 = tpu.memref_slice %arg9[%mul3A_64, %dma_start3A_65] : memref<500x16xf32, #tpu.memory_space<vmem>> -> memref<125x16xf32, #tpu.memory_space<vmem>>
      %dma_start3A_67 = arith.constant 0 : i32
      %dma_start3A_68 = tpu.memref_slice %arg8[%scan3A_45, %dma_start3A_67] : memref<40x125xi32, #tpu.memory_space<vmem>> -> memref<1x125xi32, #tpu.memory_space<vmem>>
      %dma_start3A_69 = tpu.memref_squeeze %dma_start3A_68 : memref<1x125xi32, #tpu.memory_space<vmem>> -> memref<125xi32, #tpu.memory_space<vmem>>
      %dma_start3A_70 = arith.constant 0 : i32
      %dma_start3A_71 = arith.constant 0 : i32
      %dma_start3A_72 = tpu.memref_slice %arg10[%dma_start3A_70, %dma_start3A_71] : memref<10240x16xf32, #tpu.memory_space<vmem_shared>> -> memref<10240x16xf32, #tpu.memory_space<vmem_shared>>
      tpu.enqueue_indirect_dma source(%dma_start3A_66 : memref<125x16xf32, #tpu.memory_space<vmem>>) target(%dma_start3A_72 : memref<10240x16xf32, #tpu.memory_space<vmem_shared>>) offsets(%dma_start3A_69 : memref<125xi32, #tpu.memory_space<vmem>>) semaphore(%arg12 : memref<!tpu.dma_semaphore, #tpu.memory_space<semaphore_mem>>) {add = true}
    }
    %scan3A_33 = arith.constant 40 : i32
    %scan3A_34 = arith.constant 0 : i32
    %scan3A_35 = arith.constant 0 : i32
    %scan3A_36 = arith.constant 4 : i32
    %scan3A_37 = arith.addi %scan3A_35, %scan3A_36 : i32
    %scan3A_38 = arith.constant 1 : i32
    scf.for %scan3A_45 = %scan3A_35 to %scan3A_37 step %scan3A_38  : i32 {
      %rem3A_46 = arith.constant 0 : i32
      %rem3A_47 = arith.constant 4 : i32
      %rem3A_48 = arith.remsi %rem3A_46, %rem3A_47 : i32
      %mul3A_49 = arith.constant 125 : i32
      %mul3A_50 = arith.muli %rem3A_48, %mul3A_49 : i32
      %dma_wait3A = arith.constant 0 : i32
      %dma_wait3A_51 = arith.constant 0 : i32
      %dma_wait3A_52 = tpu.memref_slice %arg9[%mul3A_50, %dma_wait3A_51] : memref<500x16xf32, #tpu.memory_space<vmem>> -> memref<125x16xf32, #tpu.memory_space<vmem>>
      %dma_wait3A_53 = arith.constant 0 : i32
      %dma_wait3A_54 = tpu.memref_slice %arg8[%dma_wait3A, %dma_wait3A_53] : memref<40x125xi32, #tpu.memory_space<vmem>> -> memref<1x125xi32, #tpu.memory_space<vmem>>
      %dma_wait3A_55 = tpu.memref_squeeze %dma_wait3A_54 : memref<1x125xi32, #tpu.memory_space<vmem>> -> memref<125xi32, #tpu.memory_space<vmem>>
      %dma_wait3A_56 = arith.constant 0 : i32
      %dma_wait3A_57 = arith.constant 0 : i32
      %dma_wait3A_58 = tpu.memref_slice %arg10[%dma_wait3A_56, %dma_wait3A_57] : memref<10240x16xf32, #tpu.memory_space<vmem_shared>> -> memref<10240x16xf32, #tpu.memory_space<vmem_shared>>
      tpu.wait_indirect_dma semaphore(%arg12 : memref<!tpu.dma_semaphore, #tpu.memory_space<semaphore_mem>>) src(%dma_wait3A_52 : memref<125x16xf32, #tpu.memory_space<vmem>>) dst(%dma_wait3A_58 : memref<10240x16xf32, #tpu.memory_space<vmem_shared>>)
    }
    %scan3A_39 = arith.constant 4 : i32
    %barrier3A_40 = arith.constant 0 : index
    tpu.barrier barrier_id(%barrier3A_40)
    %mul3A_41 = arith.constant 640 : i32
    %mul3A_42 = arith.muli %arg1, %mul3A_41 : i32
    %mul3A_43 = arith.constant 640 : i32
    %mul3A_44 = arith.muli %arg1, %mul3A_43 : i32
    "tpu.region"() ({
      %run_scoped3A = tpu.sem_alloc : memref<!tpu.dma_semaphore, #tpu.memory_space<semaphore_mem>>
      %dma_start3A_45 = arith.constant 0 : i32
      %dma_start3A_46 = arith.constant 0 : i32
      %dma_start3A_47 = tpu.memref_slice %arg6[%arg0, %dma_start3A_45, %dma_start3A_46] : memref<2x10240x16xf32, #tpu.memory_space<hbm>> -> memref<1x10240x16xf32, #tpu.memory_space<hbm>>
      %dma_start3A_48 = tpu.memref_squeeze %dma_start3A_47 : memref<1x10240x16xf32, #tpu.memory_space<hbm>> -> memref<10240x16xf32, #tpu.memory_space<hbm>>
      %dma_start3A_49 = arith.constant 0 : i32
      %dma_start3A_50 = tpu.memref_slice %dma_start3A_48[%mul3A_44, %dma_start3A_49] : memref<10240x16xf32, #tpu.memory_space<hbm>> -> memref<640x16xf32, #tpu.memory_space<hbm>>
      %dma_start3A_51 = arith.constant 0 : i32
      %dma_start3A_52 = tpu.memref_slice %arg10[%mul3A_42, %dma_start3A_51] : memref<10240x16xf32, #tpu.memory_space<vmem_shared>> -> memref<640x16xf32, #tpu.memory_space<vmem_shared>>
      tpu.enqueue_dma source(%dma_start3A_52 : memref<640x16xf32, #tpu.memory_space<vmem_shared>>) target(%dma_start3A_50 : memref<640x16xf32, #tpu.memory_space<hbm>>) target_semaphore(%run_scoped3A : memref<!tpu.dma_semaphore, #tpu.memory_space<semaphore_mem>>)
      %dma_wait3A = arith.constant 0 : i32
      %dma_wait3A_53 = arith.constant 0 : i32
      %dma_wait3A_54 = tpu.memref_slice %arg6[%arg0, %dma_wait3A, %dma_wait3A_53] : memref<2x10240x16xf32, #tpu.memory_space<hbm>> -> memref<1x10240x16xf32, #tpu.memory_space<hbm>>
      %dma_wait3A_55 = tpu.memref_squeeze %dma_wait3A_54 : memref<1x10240x16xf32, #tpu.memory_space<hbm>> -> memref<10240x16xf32, #tpu.memory_space<hbm>>
      %dma_wait3A_56 = arith.constant 0 : i32
      %dma_wait3A_57 = tpu.memref_slice %dma_wait3A_55[%mul3A_44, %dma_wait3A_56] : memref<10240x16xf32, #tpu.memory_space<hbm>> -> memref<640x16xf32, #tpu.memory_space<hbm>>
      %dma_wait3A_58 = arith.constant 0 : i32
      %dma_wait3A_59 = tpu.memref_slice %arg10[%mul3A_42, %dma_wait3A_58] : memref<10240x16xf32, #tpu.memory_space<vmem_shared>> -> memref<640x16xf32, #tpu.memory_space<vmem_shared>>
      tpu.wait_dma2 semaphore(%run_scoped3A : memref<!tpu.dma_semaphore, #tpu.memory_space<semaphore_mem>>) src(%dma_wait3A_59 : memref<640x16xf32, #tpu.memory_space<vmem_shared>>) dst(%dma_wait3A_57 : memref<640x16xf32, #tpu.memory_space<hbm>>)
      tpu.yield
    }) : () -> ()
    return
  }
}

#map = affine_map<(d0, d1) -> (0, 0)>
#map1 = affine_map<(d0, d1) -> (0, 0, 0)>
module attributes {stable_mosaic.version = 14 : i64} {
  func.func @gcn_sc_scatter_32(%arg0: i32, %arg1: i32, %arg2: memref<10000x32xf32, #tpu.memory_space<hbm>>, %arg3: memref<32x40x125xi32, #tpu.memory_space<hbm>>, %arg4: memref<32x40x125xi32, #tpu.memory_space<hbm>>, %arg5: memref<640x32xf32, #tpu.memory_space<hbm>>, %arg6: memref<2x10240x32xf32, #tpu.memory_space<hbm>>, %arg7: memref<40x125xi32, #tpu.memory_space<vmem>>, %arg8: memref<40x125xi32, #tpu.memory_space<vmem>>, %arg9: memref<500x32xf32, #tpu.memory_space<vmem>>, %arg10: memref<10240x32xf32, #tpu.memory_space<vmem_shared>>, %arg11: memref<!tpu.dma_semaphore, #tpu.memory_space<semaphore_mem>>, %arg12: memref<!tpu.dma_semaphore, #tpu.memory_space<semaphore_mem>>) attributes {dimension_semantics = [#tpu.dimension_semantics<core_parallel>, #tpu.dimension_semantics<subcore_parallel>], iteration_bounds = array<i64: 2, 16>, scalar_prefetch = 0 : i64, scratch_operands = 6 : i64, tpu.core_type = #tpu.core_type<sc_vector_subcore>, window_params = [{transform_indices = #map}, {transform_indices = #map1}, {transform_indices = #map1}, {transform_indices = #map}, {transform_indices = #map1}]} {
    %mul3A = arith.constant 16 : i32
    %mul3A_0 = arith.muli %arg0, %mul3A : i32
    %add3A = arith.addi %mul3A_0, %arg1 : i32
    %mul3A_1 = arith.constant 640 : i32
    %mul3A_2 = arith.muli %arg1, %mul3A_1 : i32
    "tpu.region"() ({
      %run_scoped3A = tpu.sem_alloc : memref<!tpu.dma_semaphore, #tpu.memory_space<semaphore_mem>>
      %dma_start3A_45 = arith.constant 0 : i32
      %dma_start3A_46 = tpu.memref_slice %arg10[%mul3A_2, %dma_start3A_45] : memref<10240x32xf32, #tpu.memory_space<vmem_shared>> -> memref<640x32xf32, #tpu.memory_space<vmem_shared>>
      tpu.enqueue_dma source(%arg5 : memref<640x32xf32, #tpu.memory_space<hbm>>) target(%dma_start3A_46 : memref<640x32xf32, #tpu.memory_space<vmem_shared>>) target_semaphore(%run_scoped3A : memref<!tpu.dma_semaphore, #tpu.memory_space<semaphore_mem>>)
      %dma_wait3A = arith.constant 0 : i32
      %dma_wait3A_47 = tpu.memref_slice %arg10[%mul3A_2, %dma_wait3A] : memref<10240x32xf32, #tpu.memory_space<vmem_shared>> -> memref<640x32xf32, #tpu.memory_space<vmem_shared>>
      tpu.wait_dma2 semaphore(%run_scoped3A : memref<!tpu.dma_semaphore, #tpu.memory_space<semaphore_mem>>) src(%arg5 : memref<640x32xf32, #tpu.memory_space<hbm>>) dst(%dma_wait3A_47 : memref<640x32xf32, #tpu.memory_space<vmem_shared>>)
      tpu.yield
    }) : () -> ()
    "tpu.region"() ({
      %run_scoped3A = tpu.sem_alloc : memref<!tpu.dma_semaphore, #tpu.memory_space<semaphore_mem>>
      %dma_start3A_45 = arith.constant 0 : i32
      %dma_start3A_46 = arith.constant 0 : i32
      %dma_start3A_47 = tpu.memref_slice %arg3[%add3A, %dma_start3A_45, %dma_start3A_46] : memref<32x40x125xi32, #tpu.memory_space<hbm>> -> memref<1x40x125xi32, #tpu.memory_space<hbm>>
      %dma_start3A_48 = tpu.memref_squeeze %dma_start3A_47 : memref<1x40x125xi32, #tpu.memory_space<hbm>> -> memref<40x125xi32, #tpu.memory_space<hbm>>
      %dma_start3A_49 = arith.constant 0 : i32
      %dma_start3A_50 = arith.constant 0 : i32
      %dma_start3A_51 = tpu.memref_slice %arg3[%add3A, %dma_start3A_49, %dma_start3A_50] : memref<32x40x125xi32, #tpu.memory_space<hbm>> -> memref<1x40x125xi32, #tpu.memory_space<hbm>>
      %dma_start3A_52 = tpu.memref_squeeze %dma_start3A_51 : memref<1x40x125xi32, #tpu.memory_space<hbm>> -> memref<40x125xi32, #tpu.memory_space<hbm>>
      tpu.enqueue_dma source(%dma_start3A_52 : memref<40x125xi32, #tpu.memory_space<hbm>>) target(%arg7 : memref<40x125xi32, #tpu.memory_space<vmem>>) target_semaphore(%run_scoped3A : memref<!tpu.dma_semaphore, #tpu.memory_space<semaphore_mem>>)
      %dma_wait3A = arith.constant 0 : i32
      %dma_wait3A_53 = arith.constant 0 : i32
      %dma_wait3A_54 = tpu.memref_slice %arg3[%add3A, %dma_wait3A, %dma_wait3A_53] : memref<32x40x125xi32, #tpu.memory_space<hbm>> -> memref<1x40x125xi32, #tpu.memory_space<hbm>>
      %dma_wait3A_55 = tpu.memref_squeeze %dma_wait3A_54 : memref<1x40x125xi32, #tpu.memory_space<hbm>> -> memref<40x125xi32, #tpu.memory_space<hbm>>
      %dma_wait3A_56 = arith.constant 0 : i32
      %dma_wait3A_57 = arith.constant 0 : i32
      %dma_wait3A_58 = tpu.memref_slice %arg3[%add3A, %dma_wait3A_56, %dma_wait3A_57] : memref<32x40x125xi32, #tpu.memory_space<hbm>> -> memref<1x40x125xi32, #tpu.memory_space<hbm>>
      %dma_wait3A_59 = tpu.memref_squeeze %dma_wait3A_58 : memref<1x40x125xi32, #tpu.memory_space<hbm>> -> memref<40x125xi32, #tpu.memory_space<hbm>>
      tpu.wait_dma2 semaphore(%run_scoped3A : memref<!tpu.dma_semaphore, #tpu.memory_space<semaphore_mem>>) src(%dma_wait3A_59 : memref<40x125xi32, #tpu.memory_space<hbm>>) dst(%arg7 : memref<40x125xi32, #tpu.memory_space<vmem>>)
      tpu.yield
    }) : () -> ()
    "tpu.region"() ({
      %run_scoped3A = tpu.sem_alloc : memref<!tpu.dma_semaphore, #tpu.memory_space<semaphore_mem>>
      %dma_start3A_45 = arith.constant 0 : i32
      %dma_start3A_46 = arith.constant 0 : i32
      %dma_start3A_47 = tpu.memref_slice %arg4[%add3A, %dma_start3A_45, %dma_start3A_46] : memref<32x40x125xi32, #tpu.memory_space<hbm>> -> memref<1x40x125xi32, #tpu.memory_space<hbm>>
      %dma_start3A_48 = tpu.memref_squeeze %dma_start3A_47 : memref<1x40x125xi32, #tpu.memory_space<hbm>> -> memref<40x125xi32, #tpu.memory_space<hbm>>
      %dma_start3A_49 = arith.constant 0 : i32
      %dma_start3A_50 = arith.constant 0 : i32
      %dma_start3A_51 = tpu.memref_slice %arg4[%add3A, %dma_start3A_49, %dma_start3A_50] : memref<32x40x125xi32, #tpu.memory_space<hbm>> -> memref<1x40x125xi32, #tpu.memory_space<hbm>>
      %dma_start3A_52 = tpu.memref_squeeze %dma_start3A_51 : memref<1x40x125xi32, #tpu.memory_space<hbm>> -> memref<40x125xi32, #tpu.memory_space<hbm>>
      tpu.enqueue_dma source(%dma_start3A_52 : memref<40x125xi32, #tpu.memory_space<hbm>>) target(%arg8 : memref<40x125xi32, #tpu.memory_space<vmem>>) target_semaphore(%run_scoped3A : memref<!tpu.dma_semaphore, #tpu.memory_space<semaphore_mem>>)
      %dma_wait3A = arith.constant 0 : i32
      %dma_wait3A_53 = arith.constant 0 : i32
      %dma_wait3A_54 = tpu.memref_slice %arg4[%add3A, %dma_wait3A, %dma_wait3A_53] : memref<32x40x125xi32, #tpu.memory_space<hbm>> -> memref<1x40x125xi32, #tpu.memory_space<hbm>>
      %dma_wait3A_55 = tpu.memref_squeeze %dma_wait3A_54 : memref<1x40x125xi32, #tpu.memory_space<hbm>> -> memref<40x125xi32, #tpu.memory_space<hbm>>
      %dma_wait3A_56 = arith.constant 0 : i32
      %dma_wait3A_57 = arith.constant 0 : i32
      %dma_wait3A_58 = tpu.memref_slice %arg4[%add3A, %dma_wait3A_56, %dma_wait3A_57] : memref<32x40x125xi32, #tpu.memory_space<hbm>> -> memref<1x40x125xi32, #tpu.memory_space<hbm>>
      %dma_wait3A_59 = tpu.memref_squeeze %dma_wait3A_58 : memref<1x40x125xi32, #tpu.memory_space<hbm>> -> memref<40x125xi32, #tpu.memory_space<hbm>>
      tpu.wait_dma2 semaphore(%run_scoped3A : memref<!tpu.dma_semaphore, #tpu.memory_space<semaphore_mem>>) src(%dma_wait3A_59 : memref<40x125xi32, #tpu.memory_space<hbm>>) dst(%arg8 : memref<40x125xi32, #tpu.memory_space<vmem>>)
      tpu.yield
    }) : () -> ()
    %barrier3A = arith.constant 0 : index
    tpu.barrier barrier_id(%barrier3A)
    %rem3A = arith.constant 0 : i32
    %rem3A_3 = arith.constant 4 : i32
    %rem3A_4 = arith.remsi %rem3A, %rem3A_3 : i32
    %mul3A_5 = arith.constant 125 : i32
    %mul3A_6 = arith.muli %rem3A_4, %mul3A_5 : i32
    %dma_start3A = arith.constant 0 : i32
    %dma_start3A_7 = arith.constant 0 : i32
    %dma_start3A_8 = tpu.memref_slice %arg9[%mul3A_6, %dma_start3A_7] : memref<500x32xf32, #tpu.memory_space<vmem>> -> memref<125x32xf32, #tpu.memory_space<vmem>>
    %dma_start3A_9 = arith.constant 0 : i32
    %dma_start3A_10 = tpu.memref_slice %arg7[%dma_start3A, %dma_start3A_9] : memref<40x125xi32, #tpu.memory_space<vmem>> -> memref<1x125xi32, #tpu.memory_space<vmem>>
    %dma_start3A_11 = tpu.memref_squeeze %dma_start3A_10 : memref<1x125xi32, #tpu.memory_space<vmem>> -> memref<125xi32, #tpu.memory_space<vmem>>
    %dma_start3A_12 = arith.constant 0 : i32
    %dma_start3A_13 = arith.constant 0 : i32
    %dma_start3A_14 = tpu.memref_slice %arg2[%dma_start3A_12, %dma_start3A_13] : memref<10000x32xf32, #tpu.memory_space<hbm>> -> memref<10000x32xf32, #tpu.memory_space<hbm>>
    tpu.enqueue_indirect_dma source(%dma_start3A_14 : memref<10000x32xf32, #tpu.memory_space<hbm>>) target(%dma_start3A_8 : memref<125x32xf32, #tpu.memory_space<vmem>>) offsets(%dma_start3A_11 : memref<125xi32, #tpu.memory_space<vmem>>) semaphore(%arg11 : memref<!tpu.dma_semaphore, #tpu.memory_space<semaphore_mem>>)
    %rem3A_15 = arith.constant 1 : i32
    %rem3A_16 = arith.constant 4 : i32
    %rem3A_17 = arith.remsi %rem3A_15, %rem3A_16 : i32
    %mul3A_18 = arith.constant 125 : i32
    %mul3A_19 = arith.muli %rem3A_17, %mul3A_18 : i32
    %dma_start3A_20 = arith.constant 1 : i32
    %dma_start3A_21 = arith.constant 0 : i32
    %dma_start3A_22 = tpu.memref_slice %arg9[%mul3A_19, %dma_start3A_21] : memref<500x32xf32, #tpu.memory_space<vmem>> -> memref<125x32xf32, #tpu.memory_space<vmem>>
    %dma_start3A_23 = arith.constant 0 : i32
    %dma_start3A_24 = tpu.memref_slice %arg7[%dma_start3A_20, %dma_start3A_23] : memref<40x125xi32, #tpu.memory_space<vmem>> -> memref<1x125xi32, #tpu.memory_space<vmem>>
    %dma_start3A_25 = tpu.memref_squeeze %dma_start3A_24 : memref<1x125xi32, #tpu.memory_space<vmem>> -> memref<125xi32, #tpu.memory_space<vmem>>
    %dma_start3A_26 = arith.constant 0 : i32
    %dma_start3A_27 = arith.constant 0 : i32
    %dma_start3A_28 = tpu.memref_slice %arg2[%dma_start3A_26, %dma_start3A_27] : memref<10000x32xf32, #tpu.memory_space<hbm>> -> memref<10000x32xf32, #tpu.memory_space<hbm>>
    tpu.enqueue_indirect_dma source(%dma_start3A_28 : memref<10000x32xf32, #tpu.memory_space<hbm>>) target(%dma_start3A_22 : memref<125x32xf32, #tpu.memory_space<vmem>>) offsets(%dma_start3A_25 : memref<125xi32, #tpu.memory_space<vmem>>) semaphore(%arg11 : memref<!tpu.dma_semaphore, #tpu.memory_space<semaphore_mem>>)
    %scan3A = arith.constant 0 : i32
    %scan3A_29 = arith.constant 0 : i32
    %scan3A_30 = arith.constant 40 : i32
    %scan3A_31 = arith.addi %scan3A_29, %scan3A_30 : i32
    %scan3A_32 = arith.constant 1 : i32
    scf.for %scan3A_45 = %scan3A_29 to %scan3A_31 step %scan3A_32  : i32 {
      %add3A_46 = arith.constant 2 : i32
      %add3A_47 = arith.addi %scan3A_45, %add3A_46 : i32
      %lt3A = arith.constant 40 : i32
      %lt3A_48 = arith.cmpi slt, %add3A_47, %lt3A : i32
      %convert_element_type3A = arith.extui %lt3A_48 : i1 to i32
      %cond3A = arith.constant 0 : i32
      %cond3A_49 = arith.cmpi ne, %convert_element_type3A, %cond3A : i32
      scf.if %cond3A_49 {
        %ge3A = arith.constant 2 : i32
        %ge3A_73 = arith.cmpi sge, %scan3A_45, %ge3A : i32
        %convert_element_type3A_74 = arith.extui %ge3A_73 : i1 to i32
        %cond3A_75 = arith.constant 0 : i32
        %cond3A_76 = arith.cmpi ne, %convert_element_type3A_74, %cond3A_75 : i32
        scf.if %cond3A_76 {
          %rem3A_89 = arith.constant 4 : i32
          %rem3A_90 = arith.remsi %scan3A_45, %rem3A_89 : i32
          %mul3A_91 = arith.constant 125 : i32
          %mul3A_92 = arith.muli %rem3A_90, %mul3A_91 : i32
          %dma_wait3A_93 = arith.constant 0 : i32
          %dma_wait3A_94 = tpu.memref_slice %arg9[%mul3A_92, %dma_wait3A_93] : memref<500x32xf32, #tpu.memory_space<vmem>> -> memref<125x32xf32, #tpu.memory_space<vmem>>
          %dma_wait3A_95 = arith.constant 0 : i32
          %dma_wait3A_96 = tpu.memref_slice %arg8[%scan3A_45, %dma_wait3A_95] : memref<40x125xi32, #tpu.memory_space<vmem>> -> memref<1x125xi32, #tpu.memory_space<vmem>>
          %dma_wait3A_97 = tpu.memref_squeeze %dma_wait3A_96 : memref<1x125xi32, #tpu.memory_space<vmem>> -> memref<125xi32, #tpu.memory_space<vmem>>
          %dma_wait3A_98 = arith.constant 0 : i32
          %dma_wait3A_99 = arith.constant 0 : i32
          %dma_wait3A_100 = tpu.memref_slice %arg10[%dma_wait3A_98, %dma_wait3A_99] : memref<10240x32xf32, #tpu.memory_space<vmem_shared>> -> memref<10240x32xf32, #tpu.memory_space<vmem_shared>>
          tpu.wait_indirect_dma semaphore(%arg12 : memref<!tpu.dma_semaphore, #tpu.memory_space<semaphore_mem>>) src(%dma_wait3A_94 : memref<125x32xf32, #tpu.memory_space<vmem>>) dst(%dma_wait3A_100 : memref<10240x32xf32, #tpu.memory_space<vmem_shared>>)
        } else {
        }
        %rem3A_77 = arith.constant 4 : i32
        %rem3A_78 = arith.remsi %add3A_47, %rem3A_77 : i32
        %mul3A_79 = arith.constant 125 : i32
        %mul3A_80 = arith.muli %rem3A_78, %mul3A_79 : i32
        %dma_start3A_81 = arith.constant 0 : i32
        %dma_start3A_82 = tpu.memref_slice %arg9[%mul3A_80, %dma_start3A_81] : memref<500x32xf32, #tpu.memory_space<vmem>> -> memref<125x32xf32, #tpu.memory_space<vmem>>
        %dma_start3A_83 = arith.constant 0 : i32
        %dma_start3A_84 = tpu.memref_slice %arg7[%add3A_47, %dma_start3A_83] : memref<40x125xi32, #tpu.memory_space<vmem>> -> memref<1x125xi32, #tpu.memory_space<vmem>>
        %dma_start3A_85 = tpu.memref_squeeze %dma_start3A_84 : memref<1x125xi32, #tpu.memory_space<vmem>> -> memref<125xi32, #tpu.memory_space<vmem>>
        %dma_start3A_86 = arith.constant 0 : i32
        %dma_start3A_87 = arith.constant 0 : i32
        %dma_start3A_88 = tpu.memref_slice %arg2[%dma_start3A_86, %dma_start3A_87] : memref<10000x32xf32, #tpu.memory_space<hbm>> -> memref<10000x32xf32, #tpu.memory_space<hbm>>
        tpu.enqueue_indirect_dma source(%dma_start3A_88 : memref<10000x32xf32, #tpu.memory_space<hbm>>) target(%dma_start3A_82 : memref<125x32xf32, #tpu.memory_space<vmem>>) offsets(%dma_start3A_85 : memref<125xi32, #tpu.memory_space<vmem>>) semaphore(%arg11 : memref<!tpu.dma_semaphore, #tpu.memory_space<semaphore_mem>>)
      } else {
      }
      %rem3A_50 = arith.constant 4 : i32
      %rem3A_51 = arith.remsi %scan3A_45, %rem3A_50 : i32
      %mul3A_52 = arith.constant 125 : i32
      %mul3A_53 = arith.muli %rem3A_51, %mul3A_52 : i32
      %dma_wait3A = arith.constant 0 : i32
      %dma_wait3A_54 = tpu.memref_slice %arg9[%mul3A_53, %dma_wait3A] : memref<500x32xf32, #tpu.memory_space<vmem>> -> memref<125x32xf32, #tpu.memory_space<vmem>>
      %dma_wait3A_55 = arith.constant 0 : i32
      %dma_wait3A_56 = tpu.memref_slice %arg7[%scan3A_45, %dma_wait3A_55] : memref<40x125xi32, #tpu.memory_space<vmem>> -> memref<1x125xi32, #tpu.memory_space<vmem>>
      %dma_wait3A_57 = tpu.memref_squeeze %dma_wait3A_56 : memref<1x125xi32, #tpu.memory_space<vmem>> -> memref<125xi32, #tpu.memory_space<vmem>>
      %dma_wait3A_58 = arith.constant 0 : i32
      %dma_wait3A_59 = arith.constant 0 : i32
      %dma_wait3A_60 = tpu.memref_slice %arg2[%dma_wait3A_58, %dma_wait3A_59] : memref<10000x32xf32, #tpu.memory_space<hbm>> -> memref<10000x32xf32, #tpu.memory_space<hbm>>
      tpu.wait_indirect_dma semaphore(%arg11 : memref<!tpu.dma_semaphore, #tpu.memory_space<semaphore_mem>>) src(%dma_wait3A_60 : memref<10000x32xf32, #tpu.memory_space<hbm>>) dst(%dma_wait3A_54 : memref<125x32xf32, #tpu.memory_space<vmem>>)
      %rem3A_61 = arith.constant 4 : i32
      %rem3A_62 = arith.remsi %scan3A_45, %rem3A_61 : i32
      %mul3A_63 = arith.constant 125 : i32
      %mul3A_64 = arith.muli %rem3A_62, %mul3A_63 : i32
      %dma_start3A_65 = arith.constant 0 : i32
      %dma_start3A_66 = tpu.memref_slice %arg9[%mul3A_64, %dma_start3A_65] : memref<500x32xf32, #tpu.memory_space<vmem>> -> memref<125x32xf32, #tpu.memory_space<vmem>>
      %dma_start3A_67 = arith.constant 0 : i32
      %dma_start3A_68 = tpu.memref_slice %arg8[%scan3A_45, %dma_start3A_67] : memref<40x125xi32, #tpu.memory_space<vmem>> -> memref<1x125xi32, #tpu.memory_space<vmem>>
      %dma_start3A_69 = tpu.memref_squeeze %dma_start3A_68 : memref<1x125xi32, #tpu.memory_space<vmem>> -> memref<125xi32, #tpu.memory_space<vmem>>
      %dma_start3A_70 = arith.constant 0 : i32
      %dma_start3A_71 = arith.constant 0 : i32
      %dma_start3A_72 = tpu.memref_slice %arg10[%dma_start3A_70, %dma_start3A_71] : memref<10240x32xf32, #tpu.memory_space<vmem_shared>> -> memref<10240x32xf32, #tpu.memory_space<vmem_shared>>
      tpu.enqueue_indirect_dma source(%dma_start3A_66 : memref<125x32xf32, #tpu.memory_space<vmem>>) target(%dma_start3A_72 : memref<10240x32xf32, #tpu.memory_space<vmem_shared>>) offsets(%dma_start3A_69 : memref<125xi32, #tpu.memory_space<vmem>>) semaphore(%arg12 : memref<!tpu.dma_semaphore, #tpu.memory_space<semaphore_mem>>) {add = true}
    }
    %scan3A_33 = arith.constant 40 : i32
    %scan3A_34 = arith.constant 0 : i32
    %scan3A_35 = arith.constant 0 : i32
    %scan3A_36 = arith.constant 4 : i32
    %scan3A_37 = arith.addi %scan3A_35, %scan3A_36 : i32
    %scan3A_38 = arith.constant 1 : i32
    scf.for %scan3A_45 = %scan3A_35 to %scan3A_37 step %scan3A_38  : i32 {
      %rem3A_46 = arith.constant 0 : i32
      %rem3A_47 = arith.constant 4 : i32
      %rem3A_48 = arith.remsi %rem3A_46, %rem3A_47 : i32
      %mul3A_49 = arith.constant 125 : i32
      %mul3A_50 = arith.muli %rem3A_48, %mul3A_49 : i32
      %dma_wait3A = arith.constant 0 : i32
      %dma_wait3A_51 = arith.constant 0 : i32
      %dma_wait3A_52 = tpu.memref_slice %arg9[%mul3A_50, %dma_wait3A_51] : memref<500x32xf32, #tpu.memory_space<vmem>> -> memref<125x32xf32, #tpu.memory_space<vmem>>
      %dma_wait3A_53 = arith.constant 0 : i32
      %dma_wait3A_54 = tpu.memref_slice %arg8[%dma_wait3A, %dma_wait3A_53] : memref<40x125xi32, #tpu.memory_space<vmem>> -> memref<1x125xi32, #tpu.memory_space<vmem>>
      %dma_wait3A_55 = tpu.memref_squeeze %dma_wait3A_54 : memref<1x125xi32, #tpu.memory_space<vmem>> -> memref<125xi32, #tpu.memory_space<vmem>>
      %dma_wait3A_56 = arith.constant 0 : i32
      %dma_wait3A_57 = arith.constant 0 : i32
      %dma_wait3A_58 = tpu.memref_slice %arg10[%dma_wait3A_56, %dma_wait3A_57] : memref<10240x32xf32, #tpu.memory_space<vmem_shared>> -> memref<10240x32xf32, #tpu.memory_space<vmem_shared>>
      tpu.wait_indirect_dma semaphore(%arg12 : memref<!tpu.dma_semaphore, #tpu.memory_space<semaphore_mem>>) src(%dma_wait3A_52 : memref<125x32xf32, #tpu.memory_space<vmem>>) dst(%dma_wait3A_58 : memref<10240x32xf32, #tpu.memory_space<vmem_shared>>)
    }
    %scan3A_39 = arith.constant 4 : i32
    %barrier3A_40 = arith.constant 0 : index
    tpu.barrier barrier_id(%barrier3A_40)
    %mul3A_41 = arith.constant 640 : i32
    %mul3A_42 = arith.muli %arg1, %mul3A_41 : i32
    %mul3A_43 = arith.constant 640 : i32
    %mul3A_44 = arith.muli %arg1, %mul3A_43 : i32
    "tpu.region"() ({
      %run_scoped3A = tpu.sem_alloc : memref<!tpu.dma_semaphore, #tpu.memory_space<semaphore_mem>>
      %dma_start3A_45 = arith.constant 0 : i32
      %dma_start3A_46 = arith.constant 0 : i32
      %dma_start3A_47 = tpu.memref_slice %arg6[%arg0, %dma_start3A_45, %dma_start3A_46] : memref<2x10240x32xf32, #tpu.memory_space<hbm>> -> memref<1x10240x32xf32, #tpu.memory_space<hbm>>
      %dma_start3A_48 = tpu.memref_squeeze %dma_start3A_47 : memref<1x10240x32xf32, #tpu.memory_space<hbm>> -> memref<10240x32xf32, #tpu.memory_space<hbm>>
      %dma_start3A_49 = arith.constant 0 : i32
      %dma_start3A_50 = tpu.memref_slice %dma_start3A_48[%mul3A_44, %dma_start3A_49] : memref<10240x32xf32, #tpu.memory_space<hbm>> -> memref<640x32xf32, #tpu.memory_space<hbm>>
      %dma_start3A_51 = arith.constant 0 : i32
      %dma_start3A_52 = tpu.memref_slice %arg10[%mul3A_42, %dma_start3A_51] : memref<10240x32xf32, #tpu.memory_space<vmem_shared>> -> memref<640x32xf32, #tpu.memory_space<vmem_shared>>
      tpu.enqueue_dma source(%dma_start3A_52 : memref<640x32xf32, #tpu.memory_space<vmem_shared>>) target(%dma_start3A_50 : memref<640x32xf32, #tpu.memory_space<hbm>>) target_semaphore(%run_scoped3A : memref<!tpu.dma_semaphore, #tpu.memory_space<semaphore_mem>>)
      %dma_wait3A = arith.constant 0 : i32
      %dma_wait3A_53 = arith.constant 0 : i32
      %dma_wait3A_54 = tpu.memref_slice %arg6[%arg0, %dma_wait3A, %dma_wait3A_53] : memref<2x10240x32xf32, #tpu.memory_space<hbm>> -> memref<1x10240x32xf32, #tpu.memory_space<hbm>>
      %dma_wait3A_55 = tpu.memref_squeeze %dma_wait3A_54 : memref<1x10240x32xf32, #tpu.memory_space<hbm>> -> memref<10240x32xf32, #tpu.memory_space<hbm>>
      %dma_wait3A_56 = arith.constant 0 : i32
      %dma_wait3A_57 = tpu.memref_slice %dma_wait3A_55[%mul3A_44, %dma_wait3A_56] : memref<10240x32xf32, #tpu.memory_space<hbm>> -> memref<640x32xf32, #tpu.memory_space<hbm>>
      %dma_wait3A_58 = arith.constant 0 : i32
      %dma_wait3A_59 = tpu.memref_slice %arg10[%mul3A_42, %dma_wait3A_58] : memref<10240x32xf32, #tpu.memory_space<vmem_shared>> -> memref<640x32xf32, #tpu.memory_space<vmem_shared>>
      tpu.wait_dma2 semaphore(%run_scoped3A : memref<!tpu.dma_semaphore, #tpu.memory_space<semaphore_mem>>) src(%dma_wait3A_59 : memref<640x32xf32, #tpu.memory_space<vmem_shared>>) dst(%dma_wait3A_57 : memref<640x32xf32, #tpu.memory_space<hbm>>)
      tpu.yield
    }) : () -> ()
    return
  }
}

module attributes {stable_mosaic.version = 14 : i64} {
  func.func @_tc_matmul_body(%arg0: memref<10000x256xf32, #tpu.memory_space<vmem>>, %arg1: memref<256x64xf32, #tpu.memory_space<vmem>>, %arg2: memref<10000x64xf32, #tpu.memory_space<vmem>>) attributes {dimension_semantics = [], scalar_prefetch = 0 : i64, scratch_operands = 0 : i64, tpu.core_type = #tpu.core_type<tc>} {
    %get3A = arith.constant 0 : index
    %get3A_0 = arith.constant 0 : index
    %get3A_1 = vector.load %arg0[%get3A, %get3A_0] : memref<10000x256xf32, #tpu.memory_space<vmem>>, vector<10000x256xf32>
    %get3A_2 = arith.constant 0 : index
    %get3A_3 = arith.constant 0 : index
    %get3A_4 = vector.load %arg1[%get3A_2, %get3A_3] : memref<256x64xf32, #tpu.memory_space<vmem>>, vector<256x64xf32>
    %dot_general3A = arith.constant dense<0.000000e+00> : vector<10000x64xf32>
    %dot_general3A_5 = tpu.matmul %get3A_1, %get3A_4, %dot_general3A {dimension_numbers = #tpu.dot_dimension_numbers<[1], [0], [0], [1], [0, 0, 1, 1], [], []>, transpose_lhs_hint = false} : vector<10000x256xf32>, vector<256x64xf32>, vector<10000x64xf32> -> vector<10000x64xf32>
    %swap3A = arith.constant 0 : index
    %swap3A_6 = arith.constant 0 : index
    %swap3A_7 = vector.load %arg2[%swap3A, %swap3A_6] : memref<10000x64xf32, #tpu.memory_space<vmem>>, vector<10000x64xf32>
    tpu.vector_store %arg2[%swap3A, %swap3A_6], %dot_general3A_5 {strides = array<i32>} : memref<10000x64xf32, #tpu.memory_space<vmem>>, vector<10000x64xf32>,
    return
  }
}

module attributes {stable_mosaic.version = 14 : i64} {
  func.func @_tc_scale_body(%arg0: memref<10000x64xf32, #tpu.memory_space<vmem>>, %arg1: memref<2x10240x16xf32, #tpu.memory_space<vmem>>, %arg2: memref<10000x64xf32, #tpu.memory_space<vmem>>, %arg3: memref<10240x1xf32, #tpu.memory_space<vmem>>) attributes {dimension_semantics = [], scalar_prefetch = 0 : i64, scratch_operands = 0 : i64, tpu.core_type = #tpu.core_type<tc>} {
    %get3A = arith.constant 0 : index
    %get3A_0 = arith.constant 0 : index
    %get3A_1 = arith.constant 0 : index
    %get3A_2 = vector.load %arg1[%get3A, %get3A_0, %get3A_1] : memref<2x10240x16xf32, #tpu.memory_space<vmem>>, vector<1x10240x1xf32>
    %get3A_3 = vector.shape_cast %get3A_2 : vector<1x10240x1xf32> to vector<10240xf32>
    %get3A_4 = arith.constant 1 : index
    %get3A_5 = arith.constant 0 : index
    %get3A_6 = arith.constant 0 : index
    %get3A_7 = vector.load %arg1[%get3A_4, %get3A_5, %get3A_6] : memref<2x10240x16xf32, #tpu.memory_space<vmem>>, vector<1x10240x1xf32>
    %get3A_8 = vector.shape_cast %get3A_7 : vector<1x10240x1xf32> to vector<10240xf32>
    %add3A = arith.addf %get3A_3, %get3A_8 : vector<10240xf32>
    %add3A_9 = arith.constant 1.000000e+00 : f32
    %add3A_10 = vector.broadcast %add3A_9 : f32 to vector<10240xf32>
    %add3A_11 = arith.addf %add3A, %add3A_10 : vector<10240xf32>
    %rsqrt3A = math.rsqrt %add3A_11 : vector<10240xf32>
    %broadcast_in_dim3A = vector.shape_cast %rsqrt3A : vector<10240xf32> to vector<10240x1xf32>
    %swap3A = arith.constant 0 : index
    %swap3A_12 = arith.constant 0 : index
    %swap3A_13 = vector.load %arg3[%swap3A, %swap3A_12] : memref<10240x1xf32, #tpu.memory_space<vmem>>, vector<10240x1xf32>
    tpu.vector_store %arg3[%swap3A, %swap3A_12], %broadcast_in_dim3A {strides = array<i32>} : memref<10240x1xf32, #tpu.memory_space<vmem>>, vector<10240x1xf32>,
    %get3A_14 = arith.constant 0 : index
    %get3A_15 = arith.constant 0 : index
    %get3A_16 = vector.load %arg0[%get3A_14, %get3A_15] : memref<10000x64xf32, #tpu.memory_space<vmem>>, vector<10000x64xf32>
    %slice3A = vector.extract_strided_slice %broadcast_in_dim3A {offsets = [0, 0], sizes = [10000, 1], strides = [1, 1]} : vector<10240x1xf32> to vector<10000x1xf32>
    %mul3A = vector.broadcast %slice3A : vector<10000x1xf32> to vector<10000x64xf32>
    %mul3A_17 = arith.mulf %get3A_16, %mul3A : vector<10000x64xf32>
    %swap3A_18 = arith.constant 0 : index
    %swap3A_19 = arith.constant 0 : index
    %swap3A_20 = vector.load %arg2[%swap3A_18, %swap3A_19] : memref<10000x64xf32, #tpu.memory_space<vmem>>, vector<10000x64xf32>
    tpu.vector_store %arg2[%swap3A_18, %swap3A_19], %mul3A_17 {strides = array<i32>} : memref<10000x64xf32, #tpu.memory_space<vmem>>, vector<10000x64xf32>,
    return
  }
}

module attributes {stable_mosaic.version = 14 : i64} {
  func.func @_tc_mid_body(%arg0: memref<2x10240x64xf32, #tpu.memory_space<vmem>>, %arg1: memref<10000x64xf32, #tpu.memory_space<vmem>>, %arg2: memref<10240x1xf32, #tpu.memory_space<vmem>>, %arg3: memref<1x64xf32, #tpu.memory_space<vmem>>, %arg4: memref<64x32xf32, #tpu.memory_space<vmem>>, %arg5: memref<10000x32xf32, #tpu.memory_space<vmem>>) attributes {dimension_semantics = [], scalar_prefetch = 0 : i64, scratch_operands = 0 : i64, tpu.core_type = #tpu.core_type<tc>} {
    %get3A = arith.constant 0 : index
    %get3A_0 = arith.constant 0 : index
    %get3A_1 = vector.load %arg2[%get3A, %get3A_0] : memref<10240x1xf32, #tpu.memory_space<vmem>>, vector<10000x1xf32>
    %get3A_2 = arith.constant 0 : index
    %get3A_3 = arith.constant 0 : index
    %get3A_4 = arith.constant 0 : index
    %get3A_5 = vector.load %arg0[%get3A_2, %get3A_3, %get3A_4] : memref<2x10240x64xf32, #tpu.memory_space<vmem>>, vector<1x10000x64xf32>
    %get3A_6 = vector.shape_cast %get3A_5 : vector<1x10000x64xf32> to vector<10000x64xf32>
    %get3A_7 = arith.constant 1 : index
    %get3A_8 = arith.constant 0 : index
    %get3A_9 = arith.constant 0 : index
    %get3A_10 = vector.load %arg0[%get3A_7, %get3A_8, %get3A_9] : memref<2x10240x64xf32, #tpu.memory_space<vmem>>, vector<1x10000x64xf32>
    %get3A_11 = vector.shape_cast %get3A_10 : vector<1x10000x64xf32> to vector<10000x64xf32>
    %add3A = arith.addf %get3A_6, %get3A_11 : vector<10000x64xf32>
    %get3A_12 = arith.constant 0 : index
    %get3A_13 = arith.constant 0 : index
    %get3A_14 = vector.load %arg1[%get3A_12, %get3A_13] : memref<10000x64xf32, #tpu.memory_space<vmem>>, vector<10000x64xf32>
    %add3A_15 = arith.addf %add3A, %get3A_14 : vector<10000x64xf32>
    %mul3A = vector.broadcast %get3A_1 : vector<10000x1xf32> to vector<10000x64xf32>
    %mul3A_16 = arith.mulf %add3A_15, %mul3A : vector<10000x64xf32>
    %get3A_17 = arith.constant 0 : index
    %get3A_18 = arith.constant 0 : index
    %get3A_19 = vector.load %arg3[%get3A_17, %get3A_18] : memref<1x64xf32, #tpu.memory_space<vmem>>, vector<1x64xf32>
    %add3A_20 = vector.broadcast %get3A_19 : vector<1x64xf32> to vector<10000x64xf32>
    %add3A_21 = arith.addf %mul3A_16, %add3A_20 : vector<10000x64xf32>
    %max3A = arith.constant 0.000000e+00 : f32
    %max3A_22 = vector.broadcast %max3A : f32 to vector<10000x64xf32>
    %max3A_23 = arith.maximumf %add3A_21, %max3A_22 : vector<10000x64xf32>
    %get3A_24 = arith.constant 0 : index
    %get3A_25 = arith.constant 0 : index
    %get3A_26 = vector.load %arg4[%get3A_24, %get3A_25] : memref<64x32xf32, #tpu.memory_space<vmem>>, vector<64x32xf32>
    %dot_general3A = arith.constant dense<0.000000e+00> : vector<10000x32xf32>
    %dot_general3A_27 = tpu.matmul %max3A_23, %get3A_26, %dot_general3A {dimension_numbers = #tpu.dot_dimension_numbers<[1], [0], [0], [1], [0, 0, 1, 1], [], []>, transpose_lhs_hint = false} : vector<10000x64xf32>, vector<64x32xf32>, vector<10000x32xf32> -> vector<10000x32xf32>
    %mul3A_28 = vector.broadcast %get3A_1 : vector<10000x1xf32> to vector<10000x32xf32>
    %mul3A_29 = arith.mulf %dot_general3A_27, %mul3A_28 : vector<10000x32xf32>
    %swap3A = arith.constant 0 : index
    %swap3A_30 = arith.constant 0 : index
    %swap3A_31 = vector.load %arg5[%swap3A, %swap3A_30] : memref<10000x32xf32, #tpu.memory_space<vmem>>, vector<10000x32xf32>
    tpu.vector_store %arg5[%swap3A, %swap3A_30], %mul3A_29 {strides = array<i32>} : memref<10000x32xf32, #tpu.memory_space<vmem>>, vector<10000x32xf32>,
    return
  }
}

module attributes {stable_mosaic.version = 14 : i64} {
  func.func @_tc_mid_body(%arg0: memref<2x10240x32xf32, #tpu.memory_space<vmem>>, %arg1: memref<10000x32xf32, #tpu.memory_space<vmem>>, %arg2: memref<10240x1xf32, #tpu.memory_space<vmem>>, %arg3: memref<1x32xf32, #tpu.memory_space<vmem>>, %arg4: memref<32x16xf32, #tpu.memory_space<vmem>>, %arg5: memref<10000x16xf32, #tpu.memory_space<vmem>>) attributes {dimension_semantics = [], scalar_prefetch = 0 : i64, scratch_operands = 0 : i64, tpu.core_type = #tpu.core_type<tc>} {
    %get3A = arith.constant 0 : index
    %get3A_0 = arith.constant 0 : index
    %get3A_1 = vector.load %arg2[%get3A, %get3A_0] : memref<10240x1xf32, #tpu.memory_space<vmem>>, vector<10000x1xf32>
    %get3A_2 = arith.constant 0 : index
    %get3A_3 = arith.constant 0 : index
    %get3A_4 = arith.constant 0 : index
    %get3A_5 = vector.load %arg0[%get3A_2, %get3A_3, %get3A_4] : memref<2x10240x32xf32, #tpu.memory_space<vmem>>, vector<1x10000x32xf32>
    %get3A_6 = vector.shape_cast %get3A_5 : vector<1x10000x32xf32> to vector<10000x32xf32>
    %get3A_7 = arith.constant 1 : index
    %get3A_8 = arith.constant 0 : index
    %get3A_9 = arith.constant 0 : index
    %get3A_10 = vector.load %arg0[%get3A_7, %get3A_8, %get3A_9] : memref<2x10240x32xf32, #tpu.memory_space<vmem>>, vector<1x10000x32xf32>
    %get3A_11 = vector.shape_cast %get3A_10 : vector<1x10000x32xf32> to vector<10000x32xf32>
    %add3A = arith.addf %get3A_6, %get3A_11 : vector<10000x32xf32>
    %get3A_12 = arith.constant 0 : index
    %get3A_13 = arith.constant 0 : index
    %get3A_14 = vector.load %arg1[%get3A_12, %get3A_13] : memref<10000x32xf32, #tpu.memory_space<vmem>>, vector<10000x32xf32>
    %add3A_15 = arith.addf %add3A, %get3A_14 : vector<10000x32xf32>
    %mul3A = vector.broadcast %get3A_1 : vector<10000x1xf32> to vector<10000x32xf32>
    %mul3A_16 = arith.mulf %add3A_15, %mul3A : vector<10000x32xf32>
    %get3A_17 = arith.constant 0 : index
    %get3A_18 = arith.constant 0 : index
    %get3A_19 = vector.load %arg3[%get3A_17, %get3A_18] : memref<1x32xf32, #tpu.memory_space<vmem>>, vector<1x32xf32>
    %add3A_20 = vector.broadcast %get3A_19 : vector<1x32xf32> to vector<10000x32xf32>
    %add3A_21 = arith.addf %mul3A_16, %add3A_20 : vector<10000x32xf32>
    %max3A = arith.constant 0.000000e+00 : f32
    %max3A_22 = vector.broadcast %max3A : f32 to vector<10000x32xf32>
    %max3A_23 = arith.maximumf %add3A_21, %max3A_22 : vector<10000x32xf32>
    %get3A_24 = arith.constant 0 : index
    %get3A_25 = arith.constant 0 : index
    %get3A_26 = vector.load %arg4[%get3A_24, %get3A_25] : memref<32x16xf32, #tpu.memory_space<vmem>>, vector<32x16xf32>
    %dot_general3A = arith.constant dense<0.000000e+00> : vector<10000x16xf32>
    %dot_general3A_27 = tpu.matmul %max3A_23, %get3A_26, %dot_general3A {dimension_numbers = #tpu.dot_dimension_numbers<[1], [0], [0], [1], [0, 0, 1, 1], [], []>, transpose_lhs_hint = false} : vector<10000x32xf32>, vector<32x16xf32>, vector<10000x16xf32> -> vector<10000x16xf32>
    %mul3A_28 = vector.broadcast %get3A_1 : vector<10000x1xf32> to vector<10000x16xf32>
    %mul3A_29 = arith.mulf %dot_general3A_27, %mul3A_28 : vector<10000x16xf32>
    %swap3A = arith.constant 0 : index
    %swap3A_30 = arith.constant 0 : index
    %swap3A_31 = vector.load %arg5[%swap3A, %swap3A_30] : memref<10000x16xf32, #tpu.memory_space<vmem>>, vector<10000x16xf32>
    tpu.vector_store %arg5[%swap3A, %swap3A_30], %mul3A_29 {strides = array<i32>} : memref<10000x16xf32, #tpu.memory_space<vmem>>, vector<10000x16xf32>,
    return
  }
}

module attributes {stable_mosaic.version = 14 : i64} {
  func.func @_tc_final_body(%arg0: memref<2x10240x16xf32, #tpu.memory_space<vmem>>, %arg1: memref<10000x16xf32, #tpu.memory_space<vmem>>, %arg2: memref<10240x1xf32, #tpu.memory_space<vmem>>, %arg3: memref<1x16xf32, #tpu.memory_space<vmem>>, %arg4: memref<16x2xf32, #tpu.memory_space<vmem>>, %arg5: memref<1x2xf32, #tpu.memory_space<vmem>>, %arg6: memref<10000x2xf32, #tpu.memory_space<vmem>>) attributes {dimension_semantics = [], scalar_prefetch = 0 : i64, scratch_operands = 0 : i64, tpu.core_type = #tpu.core_type<tc>} {
    %get3A = arith.constant 0 : index
    %get3A_0 = arith.constant 0 : index
    %get3A_1 = vector.load %arg2[%get3A, %get3A_0] : memref<10240x1xf32, #tpu.memory_space<vmem>>, vector<10000x1xf32>
    %get3A_2 = arith.constant 0 : index
    %get3A_3 = arith.constant 0 : index
    %get3A_4 = arith.constant 0 : index
    %get3A_5 = vector.load %arg0[%get3A_2, %get3A_3, %get3A_4] : memref<2x10240x16xf32, #tpu.memory_space<vmem>>, vector<1x10000x16xf32>
    %get3A_6 = vector.shape_cast %get3A_5 : vector<1x10000x16xf32> to vector<10000x16xf32>
    %get3A_7 = arith.constant 1 : index
    %get3A_8 = arith.constant 0 : index
    %get3A_9 = arith.constant 0 : index
    %get3A_10 = vector.load %arg0[%get3A_7, %get3A_8, %get3A_9] : memref<2x10240x16xf32, #tpu.memory_space<vmem>>, vector<1x10000x16xf32>
    %get3A_11 = vector.shape_cast %get3A_10 : vector<1x10000x16xf32> to vector<10000x16xf32>
    %add3A = arith.addf %get3A_6, %get3A_11 : vector<10000x16xf32>
    %get3A_12 = arith.constant 0 : index
    %get3A_13 = arith.constant 0 : index
    %get3A_14 = vector.load %arg1[%get3A_12, %get3A_13] : memref<10000x16xf32, #tpu.memory_space<vmem>>, vector<10000x16xf32>
    %add3A_15 = arith.addf %add3A, %get3A_14 : vector<10000x16xf32>
    %mul3A = vector.broadcast %get3A_1 : vector<10000x1xf32> to vector<10000x16xf32>
    %mul3A_16 = arith.mulf %add3A_15, %mul3A : vector<10000x16xf32>
    %get3A_17 = arith.constant 0 : index
    %get3A_18 = arith.constant 0 : index
    %get3A_19 = vector.load %arg3[%get3A_17, %get3A_18] : memref<1x16xf32, #tpu.memory_space<vmem>>, vector<1x16xf32>
    %add3A_20 = vector.broadcast %get3A_19 : vector<1x16xf32> to vector<10000x16xf32>
    %add3A_21 = arith.addf %mul3A_16, %add3A_20 : vector<10000x16xf32>
    %max3A = arith.constant 0.000000e+00 : f32
    %max3A_22 = vector.broadcast %max3A : f32 to vector<10000x16xf32>
    %max3A_23 = arith.maximumf %add3A_21, %max3A_22 : vector<10000x16xf32>
    %get3A_24 = arith.constant 0 : index
    %get3A_25 = arith.constant 0 : index
    %get3A_26 = vector.load %arg4[%get3A_24, %get3A_25] : memref<16x2xf32, #tpu.memory_space<vmem>>, vector<16x2xf32>
    %dot_general3A = arith.constant dense<0.000000e+00> : vector<10000x2xf32>
    %dot_general3A_27 = tpu.matmul %max3A_23, %get3A_26, %dot_general3A {dimension_numbers = #tpu.dot_dimension_numbers<[1], [0], [0], [1], [0, 0, 1, 1], [], []>, transpose_lhs_hint = false} : vector<10000x16xf32>, vector<16x2xf32>, vector<10000x2xf32> -> vector<10000x2xf32>
    %get3A_28 = arith.constant 0 : index
    %get3A_29 = arith.constant 0 : index
    %get3A_30 = vector.load %arg5[%get3A_28, %get3A_29] : memref<1x2xf32, #tpu.memory_space<vmem>>, vector<1x2xf32>
    %add3A_31 = vector.broadcast %get3A_30 : vector<1x2xf32> to vector<10000x2xf32>
    %add3A_32 = arith.addf %dot_general3A_27, %add3A_31 : vector<10000x2xf32>
    %swap3A = arith.constant 0 : index
    %swap3A_33 = arith.constant 0 : index
    %swap3A_34 = vector.load %arg6[%swap3A, %swap3A_33] : memref<10000x2xf32, #tpu.memory_space<vmem>>, vector<10000x2xf32>
    tpu.vector_store %arg6[%swap3A, %swap3A_33], %add3A_32 {strides = array<i32>} : memref<10000x2xf32, #tpu.memory_space<vmem>>, vector<10000x2xf32>,
    return
  }
}

</mosaic_0001>

<sc_bundles>
// kernel: gcn_sc_degree.3.cloned.1.call-start
scs
__scs_entry_jumppad:
0x0: {  	(pc) =	sbr.rel $0x88, $3  }
0x1: {  	(tag) =	ssettag $0x0;
	lr =	simm.s32 $0x1  }
0x2: {  	[smem:$0x3F97] =	sst lr;
	_ =	strace $0xD0000000  }
0x3: {  	_ = 	snop  }
0x4: {  	_ = 	snop  }
0x5: {  	_ = 	snop  }
0x6: {  	_ = 	snop  }
0x7: {  	_ = 	snop  }
__scs_overlays_trampoline_lowered:
0x8: {  	[smem:$0x3FA6] =	sst s0  }
0x9: {  	[smem:$0x3FA7] =	sst s1  }
0xa: {  	[smem:$0x3FA8] =	sst s2  }
0xb: {  	[smem:$0x3FA9] =	sst s3  }
0xc: {  	[smem:$0x3FAA] =	sst s4  }
0xd: {  	[smem:$0x3FAB] =	sst s5  }
0xe: {  	[smem:$0x3FAC] =	sst s6  }
0xf: {  	[smem:$0x3FAD] =	sst s7  }
0x10: {  	[smem:$0x3FAE] =	sst s8  }
0x11: {  	[smem:$0x3FAF] =	sst s9;
	s0 =	simm.s32 @!p0 $0x0  }
0x12: {  	s1 =	sld [smem:$0x3F95];
	s0 =	simm.s32 @p0 $0x1  }
0x13: {  	[smem:$0x3FB0] =	sst s0;
	s0 =	simm.s32 @!p1 $0x0  }
0x14: {  	s2 =	sld [smem:$0x3F94];
	s0 =	simm.s32 @p1 $0x1  }
0x15: {  	[smem:$0x3FB1] =	sst s0;
	s0 =	simm.s32 @!p2 $0x0  }
0x16: {  	s3 =	sld [smem:$0x3FDB];
	s0 =	simm.s32 @p2 $0x1  }
0x17: {  	s4 =	simm.s32 $0x1BF5;
	[smem:$0x3FB3] =	sst s0  }
0x18: {  	s0 =	sld [smem:$0x3F96];
	_ =	swait.ge [sflag:s4], $0x0  }
0x19: {  	s7 =	sld [smem:$0x3F97]  }
0x1a: {  	s8 =	sadd.s32 $0xFFFFE003, lr  }
0x1b: {  	s9 =	sadd.s32 $0xFFFFFEF7, lr;
	s5 =	simm.s32 $0xFFFFFFFF;
	p2 =	slt.u32 s8, $0xFFFFF086  }
0x1c: {  	p1 =	slt.u32 s9, $0xF7A;
	s5 =	simm.s32 @!p2 $0x0  }
0x1d: {  	s5 =	simm.s32 @p1 $0x1;
	p0 =	seq.s32 s7, s2  }
0x1e: {  	s7 =	smul.u32 @!p0 $0xF7A, s2;
	p2 =	seq.s32 @!p0 s5, $0x0  }
0x1f: {  	s9 =	smul.u32 $0xF7A, s1;
	s8 =	simm.s32 @!p0 $0x1BF5;
	p2 =	por !p2, p0  }
0x20: {  	[sflag:s8] =	ssyncset.s32 @!p0 $0xFFFFF086;
	s6 =	sadd.s32 @!p0 s3, s7;
	s7 =	simm.s32 @!p0 $0x108  }
0x21: {  	s3 =	sadd.s32 s3, s9;
	s6 =	sadd.s32 @!p0 $0x88, s6;
	s7 =	simm.s32 @p2 $0x1082  }
0x22: {  	[simem:s7], [sflag:s8] =	dma.local @!p0 [hbm:s6], $0xF7A  }
0x23: {  	s9 =	sor.u32 $0xD0000000, s2;
	s6 =	simm.s32 $0x108;
	_ =	swait.ge @!p0 [sflag:s8], $0x0  }
0x24: {  	s3 =	sadd.s32 $0x88, s3;
	s6 =	simm.s32 @!p1 $0x1082;
	[sflag:s4] =	ssyncset.s32 $0xFFFFF086  }
0x25: {  	[simem:s6], [sflag:s4] =	dma.local [hbm:s3], $0xF7A  }
0x26: {  	[smem:$0x3F97] =	sst s1;
	(tag) =	ssettag s2;
	_ =	strace s9  }
0x27: {  	s1 =	sld [smem:$0x3FA7]  }
0x28: {  	s2 =	sld [smem:$0x3FA8]  }
0x29: {  	s4 =	sld [smem:$0x3FAA]  }
0x2a: {  	p0 =	seq.s32 s5, $0x0;
	s5 =	sld [smem:$0x3FAB]  }
0x2b: {  	s6 =	sld [smem:$0x3FAC]  }
0x2c: {  	s7 =	sld [smem:$0x3FAD]  }
0x2d: {  	s3 =	simm.s32 $0x108;
	s8 =	sld [smem:$0x3FAE]  }
0x2e: {  	s3 =	simm.s32 @!p0 $0x1082;
	s9 =	sld [smem:$0x3FAF]  }
0x2f: {  	lr =	sadd.s32 s0, s3;
	s0 =	sld [smem:$0x3FA6]  }
0x30: {  	s3 =	sld [smem:$0x3FA9]  }
0x31: {  	[smem:$0x3FB2] =	sst s10  }
0x32: {  	s10 =	sld [smem:$0x3FB0];
	_ =	sdelay $0x3  }
0x33: {  	p0 =	seq.s32 s10, $0x1;
	s10 =	sld [smem:$0x3FB2];
	_ =	sdelay $0x3  }
0x34: {  	[smem:$0x3FB2] =	sst s10  }
0x35: {  	s10 =	sld [smem:$0x3FB1];
	_ =	sdelay $0x3  }
0x36: {  	p1 =	seq.s32 s10, $0x1;
	s10 =	sld [smem:$0x3FB2];
	_ =	sdelay $0x3  }
0x37: {  	[smem:$0x3FB2] =	sst s10  }
0x38: {  	s10 =	sld [smem:$0x3FB3]  }
0x39: {  	_ = 	snop;
	(pc) =	sbr.ind lr, $3  }
0x3a: {  	_ = 	snop  }
0x3b: {  	_ = 	snop  }
0x3c: {  	p2 =	seq.s32 s10, $0x1;
	s10 =	sld [smem:$0x3FB2]  }
0x3d: {  	_ =	shalt  }
0x3e: {  	_ =	shalt  }
0x3f: {  	_ =	shalt  }
0x40: {  	_ =	shalt  }
0x41: {  	_ =	shalt  }
0x42: {  	_ =	shalt  }
0x43: {  	_ =	shalt  }
0x44: {  	_ =	shalt  }
0x45: {  	_ =	shalt  }
0x46: {  	_ =	shalt  }
0x47: {  	_ =	shalt  }
0x48: {  	_ =	shalt  }
0x49: {  	_ =	shalt  }
0x4a: {  	_ =	shalt  }
0x4b: {  	_ =	shalt  }
0x4c: {  	_ =	shalt  }
0x4d: {  	_ =	shalt  }
0x4e: {  	_ =	shalt  }
0x4f: {  	_ =	shalt  }
0x50: {  	_ =	shalt  }
0x51: {  	_ =	shalt  }
0x52: {  	_ =	shalt  }
0x53: {  	_ =	shalt  }
0x54: {  	_ =	shalt  }
0x55: {  	_ =	shalt  }
0x56: {  	_ =	shalt  }
0x57: {  	_ =	shalt  }
0x58: {  	_ =	shalt  }
0x59: {  	_ =	shalt  }
0x5a: {  	_ =	shalt  }
0x5b: {  	_ =	shalt  }
0x5c: {  	_ =	shalt  }
0x5d: {  	_ =	shalt  }
0x5e: {  	_ =	shalt  }
0x5f: {  	_ =	shalt  }
0x60: {  	_ =	shalt  }
0x61: {  	_ =	shalt  }
0x62: {  	_ =	shalt  }
0x63: {  	_ =	shalt  }
0x64: {  	_ =	shalt  }
0x65: {  	_ =	shalt  }
0x66: {  	_ =	shalt  }
0x67: {  	_ =	shalt  }
0x68: {  	_ =	shalt  }
0x69: {  	_ =	shalt  }
0x6a: {  	_ =	shalt  }
0x6b: {  	_ =	shalt  }
0x6c: {  	_ =	shalt  }
0x6d: {  	_ =	shalt  }
0x6e: {  	_ =	shalt  }
0x6f: {  	_ =	shalt  }
0x70: {  	_ =	shalt  }
0x71: {  	_ =	shalt  }
0x72: {  	_ =	shalt  }
0x73: {  	_ =	shalt  }
0x74: {  	_ =	shalt  }
0x75: {  	_ =	shalt  }
0x76: {  	_ =	shalt  }
0x77: {  	_ =	shalt  }
0x78: {  	_ =	shalt  }
0x79: {  	_ =	shalt  }
0x7a: {  	_ =	shalt  }
0x7b: {  	_ =	shalt  }
0x7c: {  	_ =	shalt  }
0x7d: {  	_ =	shalt  }
0x7e: {  	_ =	shalt  }
0x7f: {  	_ =	shalt  }
0x80: {  	_ =	shalt  }
0x81: {  	_ =	shalt  }
0x82: {  	_ =	shalt  }
0x83: {  	_ =	shalt  }
0x84: {  	_ =	shalt  }
0x85: {  	_ =	shalt  }
0x86: {  	_ =	shalt  }
0x87: {  	_ =	shalt  }
.Lfunc_end0:
.L_simem_size_0:
called_computation_lowered:
.L_overlay_start_0:
0x88: {  	s2 =	sld [smem:$0x3FD9]  }
0x89: {  	s3 =	sld [smem:$0x3FFE];
	_ =	sdelay $0x1  }
0x8a: {  	s1 =	srdreg.scid  }
0x8b: {  	s0 =	sand.u32 $0x1, s1  }
0x8c: {  	s17 =	sshll.u32 s0, $0xA;
	s2 =	sadd.s32 s3, s2  }
0x8d: {  	s2 =	sadd.s32 s2, s17  }
0x8e: {  	[smem:$0x3FBE] =	sst s2  }
0x8f: {  	_ = 	snop  }
0x90: {  	s2 =	sld [smem:$0x3FD0];
	(tm) =	ssettm $0x1  }
0x91: {  	s18 =	sld [smem:$0x3FFB];
	_ =	sdelay $0x3  }
0x92: {  	_ =	strace s18  }
0x93: {  	s3 =	sld [smem:$0x3FFC];
	_ =	sdelay $0x3  }
0x94: {  	_ =	strace s3  }
0x95: {  	s3 =	sld [smem:$0x3FFD];
	_ =	sdelay $0x3  }
0x96: {  	_ =	strace s3  }
0x97: {  	_ =	strace $0x8FFFFFFF  }
0x98: {  	s19 =	sld [smem:$0x3FDB];
	_ =	sdelay $0x1  }
0x99: {  	s4 =	simm.s32 $_scs_section_size  }
0x9a: {  	s5 =	simm.s32 $_size__tile_overlayer_lowered;
	s6 =	simm.s32 $_tile_overlayer_lowered  }
0x9b: {  	s22 =	simm.s32 $0x1BFF;
	s21 =	sshll.u32 s6, $0x1;
	s3 =	sadd.s32 s4, s19  }
0x9c: {  	s7 =	simm.s32 $0x0;
	s20 =	sshll.u32 s5, $0x1;
	s5 =	sadd.s32 s21, s3  }
0x9d: {  	[timem:s7], [sflag:s22] =	dma.local [hbm:s5], s20  }
0x9e: {  	_ =	swait.ge [sflag:s22], s20  }
0x9f: {  	s4 =	ssub.s32 $0x0, s20;
	[sflag:s22] =	ssyncset.done $0x0  }
0xa0: {  	[sflag:s22] =	ssyncadd.s32 s4;
	_ =	sdelay $0x1  }
0xa1: {  	s23 =	simm.s32 $0x1B8B  }
0xa2: {  	_ =	swait.ge [sflag:s23], $0x1  }
0xa3: {  	[sflag:s23] =	ssyncset.done $0x0  }
0xa4: {  	s25 =	simm.s32 $0x1B8E;
	s24 =	sld [smem:$0x3FFE];
	[sflag:s23] =	ssyncadd.s32 $0xFFFFFFFF  }
0xa5: {  	s26 =	simm.s32 $execute0_lowered;
	[smem:$0x3FD2] =	sst s25  }
0xa6: {  	s5 =	sshll.u32 s26, $0x1;
	_ =	strace $0x80000046;
	[dreg:$0x1] =	wrdreg $0xFFFFFFFF  }
0xa7: {  	s28 =	simm.s32 $_size_execute0_lowered;
	s3 =	sadd.s32 s3, s5;
	[dreg:$0x0] =	wrdreg $0x0  }
0xa8: {  	s5 =	sshll.u32 s28, $0x1;
	[dreg:$0x2] =	wrdreg s3  }
0xa9: {  	[dreg:$0x3] =	wrdreg s5  }
0xaa: {  	[dreg:$0x4] =	wrdreg $0xC0  }
0xab: {  	_ =	task [dreg:s7], $0x5FFFF  }
0xac: {  	[dreg:$0x1] =	wrdreg $0xFFFFFFFF  }
0xad: {  	[dreg:$0x0] =	wrdreg $0x60  }
0xae: {  	[dreg:$0x2] =	wrdreg s24  }
0xaf: {  	[dreg:$0x3] =	wrdreg s2  }
0xb0: {  	[dreg:$0x4] =	wrdreg $0x1BD00  }
0xb1: {  	[dreg:$0x5] =	wrdreg $0x9  }
0xb2: {  	_ =	task.clear_ibuf [dreg:s7], $0x6FFFF;
	_ =	strace $0x90000046  }
0xb3: {  	s29 =	simm.s32 $0x9;
	_ =	strace $0x80000048  }
0xb4: {  	_ =	swait.ge [sflag:s29], $0x1  }
0xb5: {  	[sflag:s29] =	ssyncadd.s32 $0xFFFFFFFF  }
0xb6: {  	_ =	strace $0x90000048  }
0xb7: {  	_ =	sfence  }
0xb8: {  	s30 =	sld [smem:$0x0];
	_ =	sdelay $0x2  }
0xb9: {  	s31 =	sshll.u32 s1, $0xD;
	s1 =	sshrl.u32 s1, $0x2  }
0xba: {  	s3 =	sand.u32 $0x4000, s31;
	s1 =	sadd.s32 s1, s30  }
0xbb: {  	s0 =	sor.u32 s3, s0;
	s1 =	sshll.u32 s1, $0x11  }
0xbc: {  	s0 =	sor.u32 s1, s0  }
0xbd: {  	s0 =	sadd.s32 $0x8F2B, s0  }
0xbe: {  	[sflag:s0] =	ssyncadd.remote.s32 $0x1  }
0xbf: {  	_ =	sfence.sel $0xFFFF  }
0xc0: {  	[dreg:$0x0] =	wrdreg $0xFFFFFFFF;
	(pc) =	sbr.abs _section_cstart, $3  }
0xc1: {  	[dreg:$0x1] =	wrdreg $0xFFFFFFFF  }
0xc2: {  	_ =	task.clear_ibuf [dreg:s7], $0x2FFFF;
	_ =	strace $0x9FFFFFFF  }
0xc3: {  	(tm) =	ssettm $0x7FFFFFFF  }
tec
execute0_lowered:
.L_overlay_start_1:
0x0: {  	(tag) =	ssettag $0x1  }
0x1: {  	s0 =	rddreg [dreg:$0x0];
	s1 =	srdreg.scid  }
0x2: {  	s3 =	rddreg [dreg:$0x2];
	s7 =	stileid.u32;
	s4 =	simm.s32 $0x0  }
0x3: {  	s10 =	simm.s32 $0x2;
	s11 =	simm.s32 $0x1400;
	s12 =	simm.s32 $0x7D  }
0x4: {  	s15 =	simm.s32 $0xB80;
	s16 =	simm.s32 $0xC00;
	s17 =	simm.s32 $0xC80  }
0x5: {  	s18 =	simm.s32 $0xD00;
	s19 =	simm.s32 $0xD80;
	s20 =	simm.s32 $0xE00  }
0x6: {  	s21 =	simm.s32 $0xE80;
	s22 =	simm.s32 $0xF00;
	s23 =	simm.s32 $0xF80  }
0x7: {  	s28 =	simm.s32 $0x1100;
	s29 =	simm.s32 $0x1180;
	s30 =	simm.s32 $0x1200  }
0x8: {  	s31 =	simm.s32 $0x1280;
	s13 =	simm.s32 $0x0;
	s1 =	sand.u32 $0x1, s1  }
0x9: {  	[smem:$0x7FF] =	sst s4;
	s5 =	sadd.s32 $0x7200, s0;
	s8 =	smul.u32 $0x2800, s7  }
0xa: {  	s25 =	sshll.u32 s7, $0x6;
	s2 =	sshll.u32 s1, $0x4;
	_ =	strace $0x80000047  }
0xb: {  	s6 =	smul.u32 $0x5000, s1;
	s1 =	ssub.s32 $0x2, s1;
	s2 =	sor.u32 s7, s2  }
0xc: {  	s24 =	sshrl.u32 s1, $0x1;
	s9 =	sadd.s32 s8, s3;
	s2 =	smul.u32 $0x280, s2  }
0xd: {  	s26 =	sshrl.u32 s8, $0x3;
	s1 =	ssub.s32 s1, s24;
	s9 =	sshrl.u32 s9, $0x3  }
0xe: {  	s8 =	smax.u32 s1, $0x1;
	s1 =	simm.s32 $0x1380;
	s2 =	sadd.s32 s2, s0  }
0xf: {  	s0 =	sadd.s32 s6, s0;
	s6 =	sor.u32 $0x1C02, s25;
	s25 =	simm.s32 $0x1000  }
0x10: {  	s7 =	sadd.s32 $0x2200, s2;
	s0 =	sadd.s32 $0x7400, s0;
	s2 =	simm.s32 $0x1  }
0x11: {  	s24 =	sadd.s32 s26, s0;
	s26 =	simm.s32 $0x1080;
	s0 =	simm.s32 $0x1300  }
.LBB2_1:
0x12: {  	s14 =	rddreg [dreg:$0x1]  }
0x13: {  	[spmem:s9], [sflag:s6] =	dma.local [hbm:s14], $0x500  }
0x14: {  	_ =	swait.ge [sflag:s10], $0x500  }
0x15: {  	[sflag:s10] =	ssyncset.done $0x0  }
0x16: {  	[sflag:s10] =	ssyncadd.s32 $0xFFFFFB00  }
0x17: {  	[tilespmem:s4], [sflag:$0x2] =	stream.linear.gather [hbm4b:s7+s4], $0x1400, $0x38;
	[tilespmem:$0x43D0] =	vst v63  }
0x18: {  	_ =	swait.ge [sflag:s10], $0x1400  }
0x19: {  	[sflag:s10] =	ssyncset.done $0x0  }
0x1a: {  	[sflag:s10] =	ssyncadd.s32 $0xFFFFEC00  }
0x1b: {  	[tilespmem:s11], [sflag:$0x2] =	stream.linear.gather [hbm4b:s5+s4], $0x7D0, $0x38;
	[tilespmem:$0x43D0] =	vst v63  }
0x1c: {  	_ =	swait.ge [sflag:s10], $0x7D0  }
0x1d: {  	[sflag:s10] =	ssyncset.done $0x0  }
0x1e: {  	[sflag:s10] =	ssyncadd.s32 $0xFFFFF830  }
0x1f: {  	[bflag:$0x0] =	sbarrier.arrive $0xFFFF  }
0x20: {  	[spmem:s3] =	stream.indirect.scatter.add.f32 [tilespmem:s11], [sflag:$0x1], $0x10, s4, s12, $0xb8;
	[tilespmem:$0x43D0] =	vst v63  }
0x21: {  	s14 =	simm.s32 $0x80  }
0x22: {  	[spmem:s3] =	stream.indirect.scatter.add.f32 [tilespmem:s11], [sflag:$0x1], $0x10, s14, s12, $0xb8;
	[tilespmem:$0x43D0] =	vst v63  }
0x23: {  	s14 =	simm.s32 $0x100  }
0x24: {  	[spmem:s3] =	stream.indirect.scatter.add.f32 [tilespmem:s11], [sflag:$0x1], $0x10, s14, s12, $0xb8;
	[tilespmem:$0x43D0] =	vst v63  }
0x25: {  	s14 =	simm.s32 $0x180  }
0x26: {  	[spmem:s3] =	stream.indirect.scatter.add.f32 [tilespmem:s11], [sflag:$0x1], $0x10, s14, s12, $0xb8;
	[tilespmem:$0x43D0] =	vst v63  }
0x27: {  	s14 =	simm.s32 $0x200  }
0x28: {  	[spmem:s3] =	stream.indirect.scatter.add.f32 [tilespmem:s11], [sflag:$0x1], $0x10, s14, s12, $0xb8;
	[tilespmem:$0x43D0] =	vst v63  }
0x29: {  	s14 =	simm.s32 $0x280  }
0x2a: {  	[spmem:s3] =	stream.indirect.scatter.add.f32 [tilespmem:s11], [sflag:$0x1], $0x10, s14, s12, $0xb8;
	[tilespmem:$0x43D0] =	vst v63  }
0x2b: {  	s14 =	simm.s32 $0x300  }
0x2c: {  	[spmem:s3] =	stream.indirect.scatter.add.f32 [tilespmem:s11], [sflag:$0x1], $0x10, s14, s12, $0xb8;
	[tilespmem:$0x43D0] =	vst v63  }
0x2d: {  	s14 =	simm.s32 $0x380  }
0x2e: {  	[spmem:s3] =	stream.indirect.scatter.add.f32 [tilespmem:s11], [sflag:$0x1], $0x10, s14, s12, $0xb8;
	[tilespmem:$0x43D0] =	vst v63  }
0x2f: {  	s14 =	simm.s32 $0x400  }
0x30: {  	[spmem:s3] =	stream.indirect.scatter.add.f32 [tilespmem:s11], [sflag:$0x1], $0x10, s14, s12, $0xb8;
	[tilespmem:$0x43D0] =	vst v63  }
0x31: {  	s14 =	simm.s32 $0x480  }
0x32: {  	[spmem:s3] =	stream.indirect.scatter.add.f32 [tilespmem:s11], [sflag:$0x1], $0x10, s14, s12, $0xb8;
	[tilespmem:$0x43D0] =	vst v63  }
0x33: {  	s14 =	simm.s32 $0x500  }
0x34: {  	[spmem:s3] =	stream.indirect.scatter.add.f32 [tilespmem:s11], [sflag:$0x1], $0x10, s14, s12, $0xb8;
	[tilespmem:$0x43D0] =	vst v63  }
0x35: {  	s14 =	simm.s32 $0x580  }
0x36: {  	[spmem:s3] =	stream.indirect.scatter.add.f32 [tilespmem:s11], [sflag:$0x1], $0x10, s14, s12, $0xb8;
	[tilespmem:$0x43D0] =	vst v63  }
0x37: {  	s14 =	simm.s32 $0x600  }
0x38: {  	[spmem:s3] =	stream.indirect.scatter.add.f32 [tilespmem:s11], [sflag:$0x1], $0x10, s14, s12, $0xb8;
	[tilespmem:$0x43D0] =	vst v63  }
0x39: {  	s14 =	simm.s32 $0x680  }
0x3a: {  	[spmem:s3] =	stream.indirect.scatter.add.f32 [tilespmem:s11], [sflag:$0x1], $0x10, s14, s12, $0xb8;
	[tilespmem:$0x43D0] =	vst v63  }
0x3b: {  	s14 =	simm.s32 $0x700  }
0x3c: {  	[spmem:s3] =	stream.indirect.scatter.add.f32 [tilespmem:s11], [sflag:$0x1], $0x10, s14, s12, $0xb8;
	[tilespmem:$0x43D0] =	vst v63  }
0x3d: {  	s14 =	simm.s32 $0x780  }
0x3e: {  	[spmem:s3] =	stream.indirect.scatter.add.f32 [tilespmem:s11], [sflag:$0x1], $0x10, s14, s12, $0xb8;
	[tilespmem:$0x43D0] =	vst v63  }
0x3f: {  	s14 =	simm.s32 $0x800  }
0x40: {  	[spmem:s3] =	stream.indirect.scatter.add.f32 [tilespmem:s11], [sflag:$0x1], $0x10, s14, s12, $0xb8;
	[tilespmem:$0x43D0] =	vst v63  }
0x41: {  	s14 =	simm.s32 $0x880  }
0x42: {  	[spmem:s3] =	stream.indirect.scatter.add.f32 [tilespmem:s11], [sflag:$0x1], $0x10, s14, s12, $0xb8;
	[tilespmem:$0x43D0] =	vst v63  }
0x43: {  	s14 =	simm.s32 $0x900  }
0x44: {  	[spmem:s3] =	stream.indirect.scatter.add.f32 [tilespmem:s11], [sflag:$0x1], $0x10, s14, s12, $0xb8;
	[tilespmem:$0x43D0] =	vst v63  }
0x45: {  	s14 =	simm.s32 $0x980  }
0x46: {  	[spmem:s3] =	stream.indirect.scatter.add.f32 [tilespmem:s11], [sflag:$0x1], $0x10, s14, s12, $0xb8;
	[tilespmem:$0x43D0] =	vst v63  }
0x47: {  	s14 =	simm.s32 $0xA00  }
0x48: {  	[spmem:s3] =	stream.indirect.scatter.add.f32 [tilespmem:s11], [sflag:$0x1], $0x10, s14, s12, $0xb8;
	[tilespmem:$0x43D0] =	vst v63  }
0x49: {  	s14 =	simm.s32 $0xA80  }
0x4a: {  	[spmem:s3] =	stream.indirect.scatter.add.f32 [tilespmem:s11], [sflag:$0x1], $0x10, s14, s12, $0xb8;
	[tilespmem:$0x43D0] =	vst v63  }
0x4b: {  	s14 =	simm.s32 $0xB00  }
0x4c: {  	[spmem:s3] =	stream.indirect.scatter.add.f32 [tilespmem:s11], [sflag:$0x1], $0x10, s14, s12, $0xb8;
	[tilespmem:$0x43D0] =	vst v63  }
0x4d: {  	_ = 	snop  }
0x4e: {  	[spmem:s3] =	stream.indirect.scatter.add.f32 [tilespmem:s11], [sflag:$0x1], $0x10, s15, s12, $0xb8;
	[tilespmem:$0x43D0] =	vst v63  }
0x4f: {  	_ = 	snop  }
0x50: {  	[spmem:s3] =	stream.indirect.scatter.add.f32 [tilespmem:s11], [sflag:$0x1], $0x10, s16, s12, $0xb8;
	[tilespmem:$0x43D0] =	vst v63  }
0x51: {  	_ = 	snop  }
0x52: {  	[spmem:s3] =	stream.indirect.scatter.add.f32 [tilespmem:s11], [sflag:$0x1], $0x10, s17, s12, $0xb8;
	[tilespmem:$0x43D0] =	vst v63  }
0x53: {  	_ = 	snop  }
0x54: {  	[spmem:s3] =	stream.indirect.scatter.add.f32 [tilespmem:s11], [sflag:$0x1], $0x10, s18, s12, $0xb8;
	[tilespmem:$0x43D0] =	vst v63  }
0x55: {  	_ = 	snop  }
0x56: {  	[spmem:s3] =	stream.indirect.scatter.add.f32 [tilespmem:s11], [sflag:$0x1], $0x10, s19, s12, $0xb8;
	[tilespmem:$0x43D0] =	vst v63  }
0x57: {  	_ = 	snop  }
0x58: {  	[spmem:s3] =	stream.indirect.scatter.add.f32 [tilespmem:s11], [sflag:$0x1], $0x10, s20, s12, $0xb8;
	[tilespmem:$0x43D0] =	vst v63  }
0x59: {  	_ = 	snop  }
0x5a: {  	[spmem:s3] =	stream.indirect.scatter.add.f32 [tilespmem:s11], [sflag:$0x1], $0x10, s21, s12, $0xb8;
	[tilespmem:$0x43D0] =	vst v63  }
0x5b: {  	_ = 	snop  }
0x5c: {  	[spmem:s3] =	stream.indirect.scatter.add.f32 [tilespmem:s11], [sflag:$0x1], $0x10, s22, s12, $0xb8;
	[tilespmem:$0x43D0] =	vst v63  }
0x5d: {  	_ = 	snop  }
0x5e: {  	[spmem:s3] =	stream.indirect.scatter.add.f32 [tilespmem:s11], [sflag:$0x1], $0x10, s23, s12, $0xb8;
	[tilespmem:$0x43D0] =	vst v63  }
0x5f: {  	_ = 	snop  }
0x60: {  	[spmem:s3] =	stream.indirect.scatter.add.f32 [tilespmem:s11], [sflag:$0x1], $0x10, s25, s12, $0xb8;
	[tilespmem:$0x43D0] =	vst v63  }
0x61: {  	_ = 	snop  }
0x62: {  	[spmem:s3] =	stream.indirect.scatter.add.f32 [tilespmem:s11], [sflag:$0x1], $0x10, s26, s12, $0xb8;
	[tilespmem:$0x43D0] =	vst v63  }
0x63: {  	_ = 	snop  }
0x64: {  	[spmem:s3] =	stream.indirect.scatter.add.f32 [tilespmem:s11], [sflag:$0x1], $0x10, s28, s12, $0xb8;
	[tilespmem:$0x43D0] =	vst v63  }
0x65: {  	_ = 	snop  }
0x66: {  	[spmem:s3] =	stream.indirect.scatter.add.f32 [tilespmem:s11], [sflag:$0x1], $0x10, s29, s12, $0xb8;
	[tilespmem:$0x43D0] =	vst v63  }
0x67: {  	_ = 	snop  }
0x68: {  	[spmem:s3] =	stream.indirect.scatter.add.f32 [tilespmem:s11], [sflag:$0x1], $0x10, s30, s12, $0xb8;
	[tilespmem:$0x43D0] =	vst v63  }
0x69: {  	_ = 	snop  }
0x6a: {  	[spmem:s3] =	stream.indirect.scatter.add.f32 [tilespmem:s11], [sflag:$0x1], $0x10, s31, s12, $0xb8;
	[tilespmem:$0x43D0] =	vst v63  }
0x6b: {  	_ = 	snop  }
0x6c: {  	[spmem:s3] =	stream.indirect.scatter.add.f32 [tilespmem:s11], [sflag:$0x1], $0x10, s0, s12, $0xb8;
	[tilespmem:$0x43D0] =	vst v63  }
0x6d: {  	_ = 	snop  }
0x6e: {  	[spmem:s3] =	stream.indirect.scatter.add.f32 [tilespmem:s11], [sflag:$0x1], $0x10, s1, s12, $0xb8;
	[tilespmem:$0x43D0] =	vst v63  }
0x6f: {  	_ =	swait.ge [sflag:s2], $0x7D0  }
0x70: {  	s14 =	simm.s32 $0x27;
	[sflag:s2] =	ssyncset.done $0x0  }
.LBB2_2:
0x71: {  	p0 =	sne.s32 s14, $0x1;
	s14 =	sadd.s32 $0xFFFFFFFF, s14;
	[sflag:s2] =	ssyncadd.s32 $0xFFFFF830  }
.Ltmp0:
0x72: {  	(pc) =	sbr.rel @p0 .LBB2_2-.Ltmp0, $3  }
0x73: {  	_ =	sdelay $0x1  }
0x74: {  	_ =	swait.ge [sflag:s2], $0x7D0  }
0x75: {  	[sflag:s2] =	ssyncset.done $0x0  }
0x76: {  	s13 =	sadd.s32 $0x1, s13  }
0x77: {  	[sflag:s2] =	ssyncadd.s32 $0xFFFFF830;
	p0 =	sne.s32 s13, s8  }
.Ltmp1:
0x78: {  	[bflag:$0x0] =	sbarrier.arrive $0xFFFF;
	(pc) =	sbr.rel @p0 .LBB2_1-.Ltmp1, $4  }
0x79: {  	[hbm:s24], [sflag:s6] =	dma.local [spmem:s9], $0x500  }
0x7a: {  	_ =	swait.ge [sflag:s10], $0x500  }
0x7b: {  	[sflag:s10] =	ssyncset.done $0x0  }
0x7c: {  	[sflag:s10] =	ssyncadd.s32 $0xFFFFFB00  }
0x7d: {  	_ =	sfence.sel $0x180000  }
0x7e: {  	[bflag:$0x0] =	sbarrier.arrive $0xFFFF  }
0x7f: {  	_ =	strace $0x90000047  }
0x80: {  	s0 =	stileid.u32;
	[bflag:$0x2] =	sbarrier.arrive $0xFFFF  }
0x81: {  	p0 =	sne.s32 s0, $0x0;
	s0 =	rddreg [dreg:$0x3]  }
0x82: {  	s0 =	sadd.s32 @!p0 $0x100000, s0  }
0x83: {  	[sflag:s0] =	ssyncadd.tile.s32 @!p0 $0x1;
	_ =	shalt  }
.Lfunc_end2:
_tile_overlayer_lowered:
.L_overlay_start_2:
0x84: {  	(tag) =	ssettag $0x2  }
0x85: {  	s0 =	rddreg [dreg:$0x0];
	s2 =	stileid.u32  }
0x86: {  	s1 =	rddreg [dreg:$0x1];
	p0 =	sne.s32 s2, $0x0  }
0x87: {  	s3 =	rddreg [dreg:$0x2];
	[bflag:$0x3] =	sbarrier.arrive $0xFFFF;
	s2 =	simm.s32 @!p0 $0x1C02  }
0x88: {  	[timem:s3], [sflag:s2] =	dma.local @!p0 [hbm:s0], s1  }
0x89: {  	s0 =	simm.s32 @!p0 $0x2  }
0x8a: {  	_ =	swait.ge @!p0 [sflag:s0], s1  }
0x8b: {  	s1 =	ssub.s32 @!p0 $0x0, s1;
	[sflag:s0] =	ssyncset.done @!p0 $0x0  }
0x8c: {  	[sflag:s0] =	ssyncadd.s32 @!p0 s1  }
0x8d: {  	[bflag:$0x3] =	sbarrier.arrive $0xFFFF  }
0x8e: {  	_ =	shalt  }

// kernel: gcn_sc_scatter_16.3.cloned.1.call-start
scs
__scs_entry_jumppad:
0x0: {  	(pc) =	sbr.rel $0x88, $3  }
0x1: {  	(tag) =	ssettag $0x0;
	lr =	simm.s32 $0x1  }
0x2: {  	[smem:$0x3F97] =	sst lr;
	_ =	strace $0xD0000000  }
0x3: {  	_ = 	snop  }
0x4: {  	_ = 	snop  }
0x5: {  	_ = 	snop  }
0x6: {  	_ = 	snop  }
0x7: {  	_ = 	snop  }
__scs_overlays_trampoline_lowered:
0x8: {  	[smem:$0x3FA6] =	sst s0  }
0x9: {  	[smem:$0x3FA7] =	sst s1  }
0xa: {  	[smem:$0x3FA8] =	sst s2  }
0xb: {  	[smem:$0x3FA9] =	sst s3  }
0xc: {  	[smem:$0x3FAA] =	sst s4  }
0xd: {  	[smem:$0x3FAB] =	sst s5  }
0xe: {  	[smem:$0x3FAC] =	sst s6  }
0xf: {  	[smem:$0x3FAD] =	sst s7  }
0x10: {  	[smem:$0x3FAE] =	sst s8  }
0x11: {  	[smem:$0x3FAF] =	sst s9;
	s0 =	simm.s32 @!p0 $0x0  }
0x12: {  	s1 =	sld [smem:$0x3F95];
	s0 =	simm.s32 @p0 $0x1  }
0x13: {  	[smem:$0x3FB0] =	sst s0;
	s0 =	simm.s32 @!p1 $0x0  }
0x14: {  	s2 =	sld [smem:$0x3F94];
	s0 =	simm.s32 @p1 $0x1  }
0x15: {  	[smem:$0x3FB1] =	sst s0;
	s0 =	simm.s32 @!p2 $0x0  }
0x16: {  	s3 =	sld [smem:$0x3FDB];
	s0 =	simm.s32 @p2 $0x1  }
0x17: {  	s4 =	simm.s32 $0x1BF5;
	[smem:$0x3FB3] =	sst s0  }
0x18: {  	s0 =	sld [smem:$0x3F96];
	_ =	swait.ge [sflag:s4], $0x0  }
0x19: {  	s7 =	sld [smem:$0x3F97]  }
0x1a: {  	s8 =	sadd.s32 $0xFFFFE003, lr  }
0x1b: {  	s9 =	sadd.s32 $0xFFFFFEF7, lr;
	s5 =	simm.s32 $0xFFFFFFFF;
	p2 =	slt.u32 s8, $0xFFFFF086  }
0x1c: {  	p1 =	slt.u32 s9, $0xF7A;
	s5 =	simm.s32 @!p2 $0x0  }
0x1d: {  	s5 =	simm.s32 @p1 $0x1;
	p0 =	seq.s32 s7, s2  }
0x1e: {  	s7 =	smul.u32 @!p0 $0xF7A, s2;
	p2 =	seq.s32 @!p0 s5, $0x0  }
0x1f: {  	s9 =	smul.u32 $0xF7A, s1;
	s8 =	simm.s32 @!p0 $0x1BF5;
	p2 =	por !p2, p0  }
0x20: {  	[sflag:s8] =	ssyncset.s32 @!p0 $0xFFFFF086;
	s6 =	sadd.s32 @!p0 s3, s7;
	s7 =	simm.s32 @!p0 $0x108  }
0x21: {  	s3 =	sadd.s32 s3, s9;
	s6 =	sadd.s32 @!p0 $0x88, s6;
	s7 =	simm.s32 @p2 $0x1082  }
0x22: {  	[simem:s7], [sflag:s8] =	dma.local @!p0 [hbm:s6], $0xF7A  }
0x23: {  	s9 =	sor.u32 $0xD0000000, s2;
	s6 =	simm.s32 $0x108;
	_ =	swait.ge @!p0 [sflag:s8], $0x0  }
0x24: {  	s3 =	sadd.s32 $0x88, s3;
	s6 =	simm.s32 @!p1 $0x1082;
	[sflag:s4] =	ssyncset.s32 $0xFFFFF086  }
0x25: {  	[simem:s6], [sflag:s4] =	dma.local [hbm:s3], $0xF7A  }
0x26: {  	[smem:$0x3F97] =	sst s1;
	(tag) =	ssettag s2;
	_ =	strace s9  }
0x27: {  	s1 =	sld [smem:$0x3FA7]  }
0x28: {  	s2 =	sld [smem:$0x3FA8]  }
0x29: {  	s4 =	sld [smem:$0x3FAA]  }
0x2a: {  	p0 =	seq.s32 s5, $0x0;
	s5 =	sld [smem:$0x3FAB]  }
0x2b: {  	s6 =	sld [smem:$0x3FAC]  }
0x2c: {  	s7 =	sld [smem:$0x3FAD]  }
0x2d: {  	s3 =	simm.s32 $0x108;
	s8 =	sld [smem:$0x3FAE]  }
0x2e: {  	s3 =	simm.s32 @!p0 $0x1082;
	s9 =	sld [smem:$0x3FAF]  }
0x2f: {  	lr =	sadd.s32 s0, s3;
	s0 =	sld [smem:$0x3FA6]  }
0x30: {  	s3 =	sld [smem:$0x3FA9]  }
0x31: {  	[smem:$0x3FB2] =	sst s10  }
0x32: {  	s10 =	sld [smem:$0x3FB0];
	_ =	sdelay $0x3  }
0x33: {  	p0 =	seq.s32 s10, $0x1;
	s10 =	sld [smem:$0x3FB2];
	_ =	sdelay $0x3  }
0x34: {  	[smem:$0x3FB2] =	sst s10  }
0x35: {  	s10 =	sld [smem:$0x3FB1];
	_ =	sdelay $0x3  }
0x36: {  	p1 =	seq.s32 s10, $0x1;
	s10 =	sld [smem:$0x3FB2];
	_ =	sdelay $0x3  }
0x37: {  	[smem:$0x3FB2] =	sst s10  }
0x38: {  	s10 =	sld [smem:$0x3FB3]  }
0x39: {  	_ = 	snop;
	(pc) =	sbr.ind lr, $3  }
0x3a: {  	_ = 	snop  }
0x3b: {  	_ = 	snop  }
0x3c: {  	p2 =	seq.s32 s10, $0x1;
	s10 =	sld [smem:$0x3FB2]  }
0x3d: {  	_ =	shalt  }
0x3e: {  	_ =	shalt  }
0x3f: {  	_ =	shalt  }
0x40: {  	_ =	shalt  }
0x41: {  	_ =	shalt  }
0x42: {  	_ =	shalt  }
0x43: {  	_ =	shalt  }
0x44: {  	_ =	shalt  }
0x45: {  	_ =	shalt  }
0x46: {  	_ =	shalt  }
0x47: {  	_ =	shalt  }
0x48: {  	_ =	shalt  }
0x49: {  	_ =	shalt  }
0x4a: {  	_ =	shalt  }
0x4b: {  	_ =	shalt  }
0x4c: {  	_ =	shalt  }
0x4d: {  	_ =	shalt  }
0x4e: {  	_ =	shalt  }
0x4f: {  	_ =	shalt  }
0x50: {  	_ =	shalt  }
0x51: {  	_ =	shalt  }
0x52: {  	_ =	shalt  }
0x53: {  	_ =	shalt  }
0x54: {  	_ =	shalt  }
0x55: {  	_ =	shalt  }
0x56: {  	_ =	shalt  }
0x57: {  	_ =	shalt  }
0x58: {  	_ =	shalt  }
0x59: {  	_ =	shalt  }
0x5a: {  	_ =	shalt  }
0x5b: {  	_ =	shalt  }
0x5c: {  	_ =	shalt  }
0x5d: {  	_ =	shalt  }
0x5e: {  	_ =	shalt  }
0x5f: {  	_ =	shalt  }
0x60: {  	_ =	shalt  }
0x61: {  	_ =	shalt  }
0x62: {  	_ =	shalt  }
0x63: {  	_ =	shalt  }
0x64: {  	_ =	shalt  }
0x65: {  	_ =	shalt  }
0x66: {  	_ =	shalt  }
0x67: {  	_ =	shalt  }
0x68: {  	_ =	shalt  }
0x69: {  	_ =	shalt  }
0x6a: {  	_ =	shalt  }
0x6b: {  	_ =	shalt  }
0x6c: {  	_ =	shalt  }
0x6d: {  	_ =	shalt  }
0x6e: {  	_ =	shalt  }
0x6f: {  	_ =	shalt  }
0x70: {  	_ =	shalt  }
0x71: {  	_ =	shalt  }
0x72: {  	_ =	shalt  }
0x73: {  	_ =	shalt  }
0x74: {  	_ =	shalt  }
0x75: {  	_ =	shalt  }
0x76: {  	_ =	shalt  }
0x77: {  	_ =	shalt  }
0x78: {  	_ =	shalt  }
0x79: {  	_ =	shalt  }
0x7a: {  	_ =	shalt  }
0x7b: {  	_ =	shalt  }
0x7c: {  	_ =	shalt  }
0x7d: {  	_ =	shalt  }
0x7e: {  	_ =	shalt  }
0x7f: {  	_ =	shalt  }
0x80: {  	_ =	shalt  }
0x81: {  	_ =	shalt  }
0x82: {  	_ =	shalt  }
0x83: {  	_ =	shalt  }
0x84: {  	_ =	shalt  }
0x85: {  	_ =	shalt  }
0x86: {  	_ =	shalt  }
0x87: {  	_ =	shalt  }
.Lfunc_end0:
.L_simem_size_0:
called_computation.3_lowered:
.L_overlay_start_0:
0x88: {  	s2 =	sld [smem:$0x3FD9]  }
0x89: {  	s3 =	sld [smem:$0x3FFE];
	_ =	sdelay $0x1  }
0x8a: {  	s1 =	srdreg.scid  }
0x8b: {  	s0 =	sand.u32 $0x1, s1  }
0x8c: {  	s17 =	sshll.u32 s0, $0xA;
	s2 =	sadd.s32 s3, s2  }
0x8d: {  	s2 =	sadd.s32 s2, s17  }
0x8e: {  	[smem:$0x3FBE] =	sst s2  }
0x8f: {  	_ = 	snop  }
0x90: {  	s2 =	sld [smem:$0x3FD0];
	(tm) =	ssettm $0x1  }
0x91: {  	s18 =	sld [smem:$0x3FFB];
	_ =	sdelay $0x3  }
0x92: {  	_ =	strace s18  }
0x93: {  	s3 =	sld [smem:$0x3FFC];
	_ =	sdelay $0x3  }
0x94: {  	_ =	strace s3  }
0x95: {  	s3 =	sld [smem:$0x3FFD];
	_ =	sdelay $0x3  }
0x96: {  	_ =	strace s3  }
0x97: {  	_ =	strace $0x8FFFFFFF  }
0x98: {  	s19 =	sld [smem:$0x3FDB];
	_ =	sdelay $0x1  }
0x99: {  	s4 =	simm.s32 $_scs_section_size  }
0x9a: {  	s5 =	simm.s32 $_size__tile_overlayer_lowered;
	s6 =	simm.s32 $_tile_overlayer_lowered  }
0x9b: {  	s22 =	simm.s32 $0x1BFF;
	s21 =	sshll.u32 s6, $0x1;
	s3 =	sadd.s32 s4, s19  }
0x9c: {  	s7 =	simm.s32 $0x0;
	s20 =	sshll.u32 s5, $0x1;
	s5 =	sadd.s32 s21, s3  }
0x9d: {  	[timem:s7], [sflag:s22] =	dma.local [hbm:s5], s20  }
0x9e: {  	_ =	swait.ge [sflag:s22], s20  }
0x9f: {  	s4 =	ssub.s32 $0x0, s20;
	[sflag:s22] =	ssyncset.done $0x0  }
0xa0: {  	[sflag:s22] =	ssyncadd.s32 s4;
	_ =	sdelay $0x1  }
0xa1: {  	s23 =	simm.s32 $0x1B8B  }
0xa2: {  	_ =	swait.ge [sflag:s23], $0x1  }
0xa3: {  	[sflag:s23] =	ssyncset.done $0x0  }
0xa4: {  	s25 =	simm.s32 $0x1B8E;
	s24 =	sld [smem:$0x3FFE];
	[sflag:s23] =	ssyncadd.s32 $0xFFFFFFFF  }
0xa5: {  	s26 =	simm.s32 $execute0_lowered;
	[smem:$0x3FD2] =	sst s25  }
0xa6: {  	s5 =	sshll.u32 s26, $0x1;
	_ =	strace $0x8000004F;
	[dreg:$0x1] =	wrdreg $0xFFFFFFFF  }
0xa7: {  	s28 =	simm.s32 $_size_execute0_lowered;
	s3 =	sadd.s32 s3, s5;
	[dreg:$0x0] =	wrdreg $0x0  }
0xa8: {  	s5 =	sshll.u32 s28, $0x1;
	[dreg:$0x2] =	wrdreg s3  }
0xa9: {  	[dreg:$0x3] =	wrdreg s5  }
0xaa: {  	[dreg:$0x4] =	wrdreg $0xC0  }
0xab: {  	_ =	task [dreg:s7], $0x5FFFF  }
0xac: {  	[dreg:$0x1] =	wrdreg $0xFFFFFFFF  }
0xad: {  	[dreg:$0x0] =	wrdreg $0x60  }
0xae: {  	[dreg:$0x2] =	wrdreg s24  }
0xaf: {  	[dreg:$0x3] =	wrdreg s2  }
0xb0: {  	[dreg:$0x4] =	wrdreg $0x47400  }
0xb1: {  	[dreg:$0x5] =	wrdreg $0x9  }
0xb2: {  	_ =	task.clear_ibuf [dreg:s7], $0x6FFFF;
	_ =	strace $0x9000004F  }
0xb3: {  	s29 =	simm.s32 $0x9;
	_ =	strace $0x80000051  }
0xb4: {  	_ =	swait.ge [sflag:s29], $0x1  }
0xb5: {  	[sflag:s29] =	ssyncadd.s32 $0xFFFFFFFF  }
0xb6: {  	_ =	strace $0x90000051  }
0xb7: {  	_ =	sfence  }
0xb8: {  	s30 =	sld [smem:$0x0];
	_ =	sdelay $0x2  }
0xb9: {  	s31 =	sshll.u32 s1, $0xD;
	s1 =	sshrl.u32 s1, $0x2  }
0xba: {  	s3 =	sand.u32 $0x4000, s31;
	s1 =	sadd.s32 s1, s30  }
0xbb: {  	s0 =	sor.u32 s3, s0;
	s1 =	sshll.u32 s1, $0x11  }
0xbc: {  	s0 =	sor.u32 s1, s0  }
0xbd: {  	s0 =	sadd.s32 $0x8F2B, s0  }
0xbe: {  	[sflag:s0] =	ssyncadd.remote.s32 $0x1  }
0xbf: {  	_ =	sfence.sel $0xFFFF  }
0xc0: {  	[dreg:$0x0] =	wrdreg $0xFFFFFFFF;
	(pc) =	sbr.abs _section_cstart, $3  }
0xc1: {  	[dreg:$0x1] =	wrdreg $0xFFFFFFFF  }
0xc2: {  	_ =	task.clear_ibuf [dreg:s7], $0x2FFFF;
	_ =	strace $0x9FFFFFFF  }
0xc3: {  	(tm) =	ssettm $0x7FFFFFFF  }
tec
execute0_lowered:
.L_overlay_start_1:
0x0: {  	(tag) =	ssettag $0x1  }
0x1: {  	s0 =	rddreg [dreg:$0x0];
	s1 =	srdreg.scid  }
0x2: {  	s3 =	rddreg [dreg:$0x2];
	s2 =	stileid.u32;
	s4 =	simm.s32 $0x0  }
0x3: {  	s11 =	simm.s32 $0x3;
	s12 =	simm.s32 $0x1400;
	s13 =	simm.s32 $0x7D  }
0x4: {  	s14 =	simm.s32 $0x2800;
	s16 =	simm.s32 $0x2FD0;
	s18 =	simm.s32 $0x37A0  }
0x5: {  	s19 =	simm.s32 $0x1;
	s20 =	simm.s32 $0x180;
	s21 =	simm.s32 $0x3F70  }
0x6: {  	s22 =	simm.s32 $0x1480;
	s23 =	simm.s32 $0x2;
	s25 =	simm.s32 $0x0  }
0x7: {  	s1 =	sand.u32 $0x1, s1;
	[smem:$0x7FF] =	sst s4;
	s9 =	smul.u32 $0x2800, s2  }
0x8: {  	s31 =	sshll.u32 s2, $0x6;
	s5 =	sshll.u32 s1, $0x4;
	_ =	strace $0x80000050  }
0x9: {  	s7 =	smul.u32 $0x5000, s1;
	s1 =	ssub.s32 $0x2, s1;
	s5 =	sor.u32 s2, s5  }
0xa: {  	s30 =	sshrl.u32 s1, $0x1;
	s10 =	sadd.s32 s9, s3;
	s6 =	smul.u32 $0x280, s5  }
0xb: {  	s24 =	sshrl.u32 s9, $0x3;
	s5 =	sadd.s32 $0x7200, s0;
	s1 =	ssub.s32 s1, s30  }
0xc: {  	s10 =	sshrl.u32 s10, $0x3;
	s8 =	sadd.s32 s6, s0;
	s0 =	sadd.s32 s7, s0  }
0xd: {  	s9 =	smax.u32 s1, $0x1;
	s6 =	sor.u32 $0x1C03, s31;
	s0 =	sadd.s32 $0x16400, s0  }
0xe: {  	s7 =	sadd.s32 $0x11400, s8;
	s8 =	sadd.s32 $0x2200, s8;
	s24 =	sadd.s32 s24, s0  }
.LBB2_1:
0xf: {  	s0 =	rddreg [dreg:$0x1]  }
0x10: {  	[spmem:s10], [sflag:s6] =	dma.local [hbm:s0], $0x500  }
0x11: {  	_ =	swait.ge [sflag:s11], $0x500  }
0x12: {  	[sflag:s11] =	ssyncset.done $0x0  }
0x13: {  	[sflag:s11] =	ssyncadd.s32 $0xFFFFFB00  }
0x14: {  	[tilespmem:s4], [sflag:$0x3] =	stream.linear.gather [hbm4b:s7+s4], $0x1400, $0x38;
	[tilespmem:$0x6F40] =	vst v63  }
0x15: {  	_ =	swait.ge [sflag:s11], $0x1400  }
0x16: {  	[sflag:s11] =	ssyncset.done $0x0  }
0x17: {  	[sflag:s11] =	ssyncadd.s32 $0xFFFFEC00  }
0x18: {  	[tilespmem:s12], [sflag:$0x3] =	stream.linear.gather [hbm4b:s8+s4], $0x1400, $0x38;
	[tilespmem:$0x6F40] =	vst v63  }
0x19: {  	_ =	swait.ge [sflag:s11], $0x1400  }
0x1a: {  	[sflag:s11] =	ssyncset.done $0x0  }
0x1b: {  	[sflag:s11] =	ssyncadd.s32 $0xFFFFEC00  }
0x1c: {  	[bflag:$0x0] =	sbarrier.arrive $0xFFFF  }
0x1d: {  	[tilespmem:s14], [sflag:$0x1] =	stream.indirect.gather [hbm4b:s5+s13], $0x10, s4, s13, $0xb8;
	[tilespmem:$0x6F40] =	vst v63  }
0x1e: {  	s17 =	simm.s32 $0x80  }
0x1f: {  	[tilespmem:s16], [sflag:$0x1] =	stream.indirect.gather [hbm4b:s5+s13], $0x10, s17, s13, $0xb8;
	[tilespmem:$0x6F40] =	vst v63  }
0x20: {  	s26 =	simm.s32 $0x100  }
0x21: {  	[tilespmem:s18], [sflag:$0x1] =	stream.indirect.gather [hbm4b:s5+s13], $0x10, s26, s13, $0xb8;
	[tilespmem:$0x6F40] =	vst v63  }
0x22: {  	_ =	swait.ge [sflag:s19], $0x7D0  }
0x23: {  	[sflag:s19] =	ssyncset.done $0x0  }
0x24: {  	[sflag:s19] =	ssyncadd.s32 $0xFFFFF830  }
0x25: {  	[spmem:s3] =	stream.indirect.scatter.add.f32 [tilespmem:s14], [sflag:$0x2], $0x10, s12, s13, $0xb8;
	[tilespmem:$0x6F40] =	vst v63  }
0x26: {  	p0 =	por $0x0, $0x0;
	s1 =	simm.s32 $0x200  }
0x27: {  	[tilespmem:s21], [sflag:$0x1] =	stream.indirect.gather [hbm4b:s5+s13], $0x10, s20, s13, $0xb8;
	[tilespmem:$0x6F40] =	vst v63  }
0x28: {  	s31 =	simm.s32 $0x5;
	s0 =	simm.s32 $0x4;
	_ =	swait.ge [sflag:s19], $0x7D0  }
0x29: {  	s29 =	simm.s32 $0x2;
	s0 =	sand.u32 @!p0 $0x3, s0;
	[sflag:s19] =	ssyncset.done $0x0  }
0x2a: {  	s28 =	simm.s32 @!p0 $0x2;
	s0 =	smul.u32 @!p0 $0x1F40, s0;
	[sflag:s19] =	ssyncadd.s32 $0xFFFFF830  }
0x2b: {  	[spmem:s3] =	stream.indirect.scatter.add.f32 [tilespmem:s16], [sflag:$0x2], $0x10, s22, s13, $0xb8;
	[tilespmem:$0x6F40] =	vst v63  }
0x2c: {  	s30 =	simm.s32 $0x6;
	s0 =	sshrl.u32 @!p0 s0, $0x2;
	_ =	swait.ge @!p0 [sflag:s28], $0x7D0  }
0x2d: {  	s29 =	sand.u32 $0x3, s29;
	s0 =	sadd.s32 @!p0 $0x2800, s0;
	[sflag:s28] =	ssyncset.done @!p0 $0x0  }
0x2e: {  	s26 =	simm.s32 $0x1500;
	[sflag:s28] =	ssyncadd.s32 @!p0 $0xFFFFF830;
	s28 =	simm.s32 @!p0 $0x7D  }
0x2f: {  	[tilespmem:s0], [sflag:$0x1] =	stream.indirect.gather @!p0 [hbm4b:s5+s28], $0x10, s1, s28, $0xb8;
	[tilespmem:$0x6F40] =	vst v63  }
0x30: {  	s1 =	smul.u32 $0x1F40, s29;
	s29 =	simm.s32 $0x280;
	_ =	swait.ge [sflag:s19], $0x7D0  }
0x31: {  	s0 =	simm.s32 $0x3;
	s28 =	simm.s32 $0x1580;
	[sflag:s19] =	ssyncset.done $0x0  }
.LBB2_2:
0x32: {  	p0 =	sgt.u32 s0, $0x25;
	s1 =	sshrl.u32 s1, $0x2;
	s2 =	smov.u32 s30  }
0x33: {  	s30 =	sadd.s32 $0x1, s30;
	s15 =	smov.u32 s26;
	s26 =	smov.u32 s28  }
0x34: {  	s17 =	simm.s32 @!p0 $0x2;
	s31 =	sand.u32 @!p0 $0x3, s31;
	s1 =	sadd.s32 $0x2800, s1  }
0x35: {  	p1 =	sne.s32 s30, $0x2A;
	s31 =	smul.u32 @!p0 $0x1F40, s31;
	[sflag:s19] =	ssyncadd.s32 $0xFFFFF830  }
0x36: {  	[spmem:s3] =	stream.indirect.scatter.add.f32 [tilespmem:s1], [sflag:$0x2], $0x10, s15, s13, $0xb8;
	[tilespmem:$0x6F40] =	vst v63  }
0x37: {  	_ =	swait.ge @!p0 [sflag:s17], $0x7D0;
	s1 =	sshrl.u32 @!p0 s31, $0x2;
	s31 =	smov.u32 s2  }
.Ltmp0:
0x38: {  	[sflag:s17] =	ssyncset.done @!p0 $0x0;
	s1 =	sadd.s32 @!p0 $0x2800, s1;
	(pc) =	sbr.rel @p1 .LBB2_2-.Ltmp0, $4  }
0x39: {  	s0 =	sand.u32 $0x3, s0;
	s2 =	simm.s32 @!p0 $0x7D;
	[sflag:s17] =	ssyncadd.s32 @!p0 $0xFFFFF830  }
0x3a: {  	[tilespmem:s1], [sflag:$0x1] =	stream.indirect.gather @!p0 [hbm4b:s5+s2], $0x10, s29, s2, $0xb8;
	[tilespmem:$0x6F40] =	vst v63  }
0x3b: {  	s1 =	smul.u32 $0x1F40, s0;
	s29 =	sadd.s32 $0x80, s29;
	_ =	swait.ge [sflag:s19], $0x7D0  }
0x3c: {  	s28 =	sadd.s32 $0x80, s28;
	s0 =	sadd.s32 $0xFFFFFFFE, s31;
	[sflag:s19] =	ssyncset.done $0x0  }
0x3d: {  	p0 =	sgt.u32 s0, $0x25  }
0x3e: {  	s1 =	sshrl.u32 s1, $0x2;
	[sflag:s19] =	ssyncadd.s32 $0xFFFFF830;
	s15 =	sand.u32 @!p0 $0x3, s31  }
0x3f: {  	s2 =	simm.s32 @!p0 $0x2;
	s1 =	sadd.s32 $0x2800, s1;
	s15 =	smul.u32 @!p0 $0x1F40, s15  }
0x40: {  	[spmem:s3] =	stream.indirect.scatter.add.f32 [tilespmem:s1], [sflag:$0x2], $0x10, s26, s13, $0xb8;
	[tilespmem:$0x6F40] =	vst v63  }
0x41: {  	s31 =	sand.u32 $0x3, s0;
	_ =	swait.ge @!p0 [sflag:s2], $0x7D0  }
0x42: {  	s0 =	smul.u32 $0x1F40, s31;
	s1 =	sshrl.u32 @!p0 s15, $0x2;
	[sflag:s2] =	ssyncset.done @!p0 $0x0  }
0x43: {  	s1 =	sadd.s32 @!p0 $0x2800, s1;
	[sflag:s2] =	ssyncadd.s32 @!p0 $0xFFFFF830;
	s2 =	simm.s32 @!p0 $0x7D  }
0x44: {  	[tilespmem:s1], [sflag:$0x1] =	stream.indirect.gather @!p0 [hbm4b:s5+s2], $0x10, s29, s2, $0xb8;
	[tilespmem:$0x6F40] =	vst v63  }
0x45: {  	_ =	swait.ge [sflag:s19], $0x7D0  }
0x46: {  	s0 =	sshrl.u32 s0, $0x2;
	[sflag:s19] =	ssyncset.done $0x0  }
0x47: {  	s0 =	sadd.s32 $0x2800, s0;
	[sflag:s19] =	ssyncadd.s32 $0xFFFFF830  }
0x48: {  	[spmem:s3] =	stream.indirect.scatter.add.f32 [tilespmem:s0], [sflag:$0x2], $0x10, s28, s13, $0xb8;
	[tilespmem:$0x6F40] =	vst v63  }
0x49: {  	_ =	swait.ge [sflag:s23], $0x7D0  }
0x4a: {  	[sflag:s23] =	ssyncset.done $0x0  }
0x4b: {  	[sflag:s23] =	ssyncadd.s32 $0xFFFFF830  }
0x4c: {  	_ =	swait.ge [sflag:s23], $0x7D0  }
0x4d: {  	[sflag:s23] =	ssyncset.done $0x0  }
0x4e: {  	[sflag:s23] =	ssyncadd.s32 $0xFFFFF830  }
0x4f: {  	_ =	swait.ge [sflag:s23], $0x7D0  }
0x50: {  	[sflag:s23] =	ssyncset.done $0x0  }
0x51: {  	[sflag:s23] =	ssyncadd.s32 $0xFFFFF830  }
0x52: {  	_ =	swait.ge [sflag:s23], $0x7D0  }
0x53: {  	s25 =	sadd.s32 $0x1, s25;
	[sflag:s23] =	ssyncset.done $0x0  }
0x54: {  	p0 =	sne.s32 s25, s9;
	[sflag:s23] =	ssyncadd.s32 $0xFFFFF830  }
.Ltmp1:
0x55: {  	[bflag:$0x0] =	sbarrier.arrive $0xFFFF;
	(pc) =	sbr.rel @p0 .LBB2_1-.Ltmp1, $4  }
0x56: {  	[hbm:s24], [sflag:s6] =	dma.local [spmem:s10], $0x500  }
0x57: {  	_ =	swait.ge [sflag:s11], $0x500  }
0x58: {  	[sflag:s11] =	ssyncset.done $0x0  }
0x59: {  	[sflag:s11] =	ssyncadd.s32 $0xFFFFFB00  }
0x5a: {  	_ =	sfence.sel $0x180000  }
0x5b: {  	[bflag:$0x0] =	sbarrier.arrive $0xFFFF  }
0x5c: {  	_ =	strace $0x90000050  }
0x5d: {  	s0 =	stileid.u32;
	[bflag:$0x2] =	sbarrier.arrive $0xFFFF  }
0x5e: {  	p0 =	sne.s32 s0, $0x0;
	s0 =	rddreg [dreg:$0x3]  }
0x5f: {  	s0 =	sadd.s32 @!p0 $0x100000, s0  }
0x60: {  	[sflag:s0] =	ssyncadd.tile.s32 @!p0 $0x1;
	_ =	shalt  }
.Lfunc_end2:
_tile_overlayer_lowered:
.L_overlay_start_2:
0x61: {  	(tag) =	ssettag $0x2  }
0x62: {  	s0 =	rddreg [dreg:$0x0];
	s2 =	stileid.u32  }
0x63: {  	s1 =	rddreg [dreg:$0x1];
	p0 =	sne.s32 s2, $0x0  }
0x64: {  	s3 =	rddreg [dreg:$0x2];
	[bflag:$0x3] =	sbarrier.arrive $0xFFFF;
	s2 =	simm.s32 @!p0 $0x1C03  }
0x65: {  	[timem:s3], [sflag:s2] =	dma.local @!p0 [hbm:s0], s1  }
0x66: {  	s0 =	simm.s32 @!p0 $0x3  }
0x67: {  	_ =	swait.ge @!p0 [sflag:s0], s1  }
0x68: {  	s1 =	ssub.s32 @!p0 $0x0, s1;
	[sflag:s0] =	ssyncset.done @!p0 $0x0  }
0x69: {  	[sflag:s0] =	ssyncadd.s32 @!p0 s1  }
0x6a: {  	[bflag:$0x3] =	sbarrier.arrive $0xFFFF  }
0x6b: {  	_ =	shalt  }

// kernel: gcn_sc_scatter_32.3.cloned.1.call-start
scs
__scs_entry_jumppad:
0x0: {  	(pc) =	sbr.rel $0x88, $3  }
0x1: {  	(tag) =	ssettag $0x0;
	lr =	simm.s32 $0x1  }
0x2: {  	[smem:$0x3F97] =	sst lr;
	_ =	strace $0xD0000000  }
0x3: {  	_ = 	snop  }
0x4: {  	_ = 	snop  }
0x5: {  	_ = 	snop  }
0x6: {  	_ = 	snop  }
0x7: {  	_ = 	snop  }
__scs_overlays_trampoline_lowered:
0x8: {  	[smem:$0x3FA6] =	sst s0  }
0x9: {  	[smem:$0x3FA7] =	sst s1  }
0xa: {  	[smem:$0x3FA8] =	sst s2  }
0xb: {  	[smem:$0x3FA9] =	sst s3  }
0xc: {  	[smem:$0x3FAA] =	sst s4  }
0xd: {  	[smem:$0x3FAB] =	sst s5  }
0xe: {  	[smem:$0x3FAC] =	sst s6  }
0xf: {  	[smem:$0x3FAD] =	sst s7  }
0x10: {  	[smem:$0x3FAE] =	sst s8  }
0x11: {  	[smem:$0x3FAF] =	sst s9;
	s0 =	simm.s32 @!p0 $0x0  }
0x12: {  	s1 =	sld [smem:$0x3F95];
	s0 =	simm.s32 @p0 $0x1  }
0x13: {  	[smem:$0x3FB0] =	sst s0;
	s0 =	simm.s32 @!p1 $0x0  }
0x14: {  	s2 =	sld [smem:$0x3F94];
	s0 =	simm.s32 @p1 $0x1  }
0x15: {  	[smem:$0x3FB1] =	sst s0;
	s0 =	simm.s32 @!p2 $0x0  }
0x16: {  	s3 =	sld [smem:$0x3FDB];
	s0 =	simm.s32 @p2 $0x1  }
0x17: {  	s4 =	simm.s32 $0x1BF5;
	[smem:$0x3FB3] =	sst s0  }
0x18: {  	s0 =	sld [smem:$0x3F96];
	_ =	swait.ge [sflag:s4], $0x0  }
0x19: {  	s7 =	sld [smem:$0x3F97]  }
0x1a: {  	s8 =	sadd.s32 $0xFFFFE003, lr  }
0x1b: {  	s9 =	sadd.s32 $0xFFFFFEF7, lr;
	s5 =	simm.s32 $0xFFFFFFFF;
	p2 =	slt.u32 s8, $0xFFFFF086  }
0x1c: {  	p1 =	slt.u32 s9, $0xF7A;
	s5 =	simm.s32 @!p2 $0x0  }
0x1d: {  	s5 =	simm.s32 @p1 $0x1;
	p0 =	seq.s32 s7, s2  }
0x1e: {  	s7 =	smul.u32 @!p0 $0xF7A, s2;
	p2 =	seq.s32 @!p0 s5, $0x0  }
0x1f: {  	s9 =	smul.u32 $0xF7A, s1;
	s8 =	simm.s32 @!p0 $0x1BF5;
	p2 =	por !p2, p0  }
0x20: {  	[sflag:s8] =	ssyncset.s32 @!p0 $0xFFFFF086;
	s6 =	sadd.s32 @!p0 s3, s7;
	s7 =	simm.s32 @!p0 $0x108  }
0x21: {  	s3 =	sadd.s32 s3, s9;
	s6 =	sadd.s32 @!p0 $0x88, s6;
	s7 =	simm.s32 @p2 $0x1082  }
0x22: {  	[simem:s7], [sflag:s8] =	dma.local @!p0 [hbm:s6], $0xF7A  }
0x23: {  	s9 =	sor.u32 $0xD0000000, s2;
	s6 =	simm.s32 $0x108;
	_ =	swait.ge @!p0 [sflag:s8], $0x0  }
0x24: {  	s3 =	sadd.s32 $0x88, s3;
	s6 =	simm.s32 @!p1 $0x1082;
	[sflag:s4] =	ssyncset.s32 $0xFFFFF086  }
0x25: {  	[simem:s6], [sflag:s4] =	dma.local [hbm:s3], $0xF7A  }
0x26: {  	[smem:$0x3F97] =	sst s1;
	(tag) =	ssettag s2;
	_ =	strace s9  }
0x27: {  	s1 =	sld [smem:$0x3FA7]  }
0x28: {  	s2 =	sld [smem:$0x3FA8]  }
0x29: {  	s4 =	sld [smem:$0x3FAA]  }
0x2a: {  	p0 =	seq.s32 s5, $0x0;
	s5 =	sld [smem:$0x3FAB]  }
0x2b: {  	s6 =	sld [smem:$0x3FAC]  }
0x2c: {  	s7 =	sld [smem:$0x3FAD]  }
0x2d: {  	s3 =	simm.s32 $0x108;
	s8 =	sld [smem:$0x3FAE]  }
0x2e: {  	s3 =	simm.s32 @!p0 $0x1082;
	s9 =	sld [smem:$0x3FAF]  }
0x2f: {  	lr =	sadd.s32 s0, s3;
	s0 =	sld [smem:$0x3FA6]  }
0x30: {  	s3 =	sld [smem:$0x3FA9]  }
0x31: {  	[smem:$0x3FB2] =	sst s10  }
0x32: {  	s10 =	sld [smem:$0x3FB0];
	_ =	sdelay $0x3  }
0x33: {  	p0 =	seq.s32 s10, $0x1;
	s10 =	sld [smem:$0x3FB2];
	_ =	sdelay $0x3  }
0x34: {  	[smem:$0x3FB2] =	sst s10  }
0x35: {  	s10 =	sld [smem:$0x3FB1];
	_ =	sdelay $0x3  }
0x36: {  	p1 =	seq.s32 s10, $0x1;
	s10 =	sld [smem:$0x3FB2];
	_ =	sdelay $0x3  }
0x37: {  	[smem:$0x3FB2] =	sst s10  }
0x38: {  	s10 =	sld [smem:$0x3FB3]  }
0x39: {  	_ = 	snop;
	(pc) =	sbr.ind lr, $3  }
0x3a: {  	_ = 	snop  }
0x3b: {  	_ = 	snop  }
0x3c: {  	p2 =	seq.s32 s10, $0x1;
	s10 =	sld [smem:$0x3FB2]  }
0x3d: {  	_ =	shalt  }
0x3e: {  	_ =	shalt  }
0x3f: {  	_ =	shalt  }
0x40: {  	_ =	shalt  }
0x41: {  	_ =	shalt  }
0x42: {  	_ =	shalt  }
0x43: {  	_ =	shalt  }
0x44: {  	_ =	shalt  }
0x45: {  	_ =	shalt  }
0x46: {  	_ =	shalt  }
0x47: {  	_ =	shalt  }
0x48: {  	_ =	shalt  }
0x49: {  	_ =	shalt  }
0x4a: {  	_ =	shalt  }
0x4b: {  	_ =	shalt  }
0x4c: {  	_ =	shalt  }
0x4d: {  	_ =	shalt  }
0x4e: {  	_ =	shalt  }
0x4f: {  	_ =	shalt  }
0x50: {  	_ =	shalt  }
0x51: {  	_ =	shalt  }
0x52: {  	_ =	shalt  }
0x53: {  	_ =	shalt  }
0x54: {  	_ =	shalt  }
0x55: {  	_ =	shalt  }
0x56: {  	_ =	shalt  }
0x57: {  	_ =	shalt  }
0x58: {  	_ =	shalt  }
0x59: {  	_ =	shalt  }
0x5a: {  	_ =	shalt  }
0x5b: {  	_ =	shalt  }
0x5c: {  	_ =	shalt  }
0x5d: {  	_ =	shalt  }
0x5e: {  	_ =	shalt  }
0x5f: {  	_ =	shalt  }
0x60: {  	_ =	shalt  }
0x61: {  	_ =	shalt  }
0x62: {  	_ =	shalt  }
0x63: {  	_ =	shalt  }
0x64: {  	_ =	shalt  }
0x65: {  	_ =	shalt  }
0x66: {  	_ =	shalt  }
0x67: {  	_ =	shalt  }
0x68: {  	_ =	shalt  }
0x69: {  	_ =	shalt  }
0x6a: {  	_ =	shalt  }
0x6b: {  	_ =	shalt  }
0x6c: {  	_ =	shalt  }
0x6d: {  	_ =	shalt  }
0x6e: {  	_ =	shalt  }
0x6f: {  	_ =	shalt  }
0x70: {  	_ =	shalt  }
0x71: {  	_ =	shalt  }
0x72: {  	_ =	shalt  }
0x73: {  	_ =	shalt  }
0x74: {  	_ =	shalt  }
0x75: {  	_ =	shalt  }
0x76: {  	_ =	shalt  }
0x77: {  	_ =	shalt  }
0x78: {  	_ =	shalt  }
0x79: {  	_ =	shalt  }
0x7a: {  	_ =	shalt  }
0x7b: {  	_ =	shalt  }
0x7c: {  	_ =	shalt  }
0x7d: {  	_ =	shalt  }
0x7e: {  	_ =	shalt  }
0x7f: {  	_ =	shalt  }
0x80: {  	_ =	shalt  }
0x81: {  	_ =	shalt  }
0x82: {  	_ =	shalt  }
0x83: {  	_ =	shalt  }
0x84: {  	_ =	shalt  }
0x85: {  	_ =	shalt  }
0x86: {  	_ =	shalt  }
0x87: {  	_ =	shalt  }
.Lfunc_end0:
.L_simem_size_0:
called_computation.2_lowered:
.L_overlay_start_0:
0x88: {  	s2 =	sld [smem:$0x3FD9]  }
0x89: {  	s3 =	sld [smem:$0x3FFE];
	_ =	sdelay $0x1  }
0x8a: {  	s1 =	srdreg.scid  }
0x8b: {  	s0 =	sand.u32 $0x1, s1  }
0x8c: {  	s16 =	sshll.u32 s0, $0xA;
	s2 =	sadd.s32 s3, s2  }
0x8d: {  	s2 =	sadd.s32 s2, s16  }
0x8e: {  	[smem:$0x3FBE] =	sst s2  }
0x8f: {  	_ = 	snop  }
0x90: {  	(tm) =	ssettm $0x1  }
0x91: {  	s17 =	sld [smem:$0x3FFB];
	_ =	sdelay $0x3  }
0x92: {  	_ =	strace s17  }
0x93: {  	s2 =	sld [smem:$0x3FFC];
	_ =	sdelay $0x3  }
0x94: {  	_ =	strace s2  }
0x95: {  	s2 =	sld [smem:$0x3FFD];
	_ =	sdelay $0x3  }
0x96: {  	_ =	strace s2  }
0x97: {  	_ =	strace $0x8FFFFFFF  }
0x98: {  	s18 =	sld [smem:$0x3FDB];
	_ =	sdelay $0x1  }
0x99: {  	s19 =	simm.s32 $_scs_section_size  }
0x9a: {  	s4 =	simm.s32 $_size__tile_overlayer_lowered;
	s5 =	simm.s32 $_tile_overlayer_lowered  }
0x9b: {  	s22 =	simm.s32 $0x1BFF;
	s21 =	sshll.u32 s5, $0x1;
	s2 =	sadd.s32 s19, s18  }
0x9c: {  	s6 =	simm.s32 $0x0;
	s20 =	sshll.u32 s4, $0x1;
	s4 =	sadd.s32 s21, s2  }
0x9d: {  	[timem:s6], [sflag:s22] =	dma.local [hbm:s4], s20  }
0x9e: {  	_ =	swait.ge [sflag:s22], s20  }
0x9f: {  	s3 =	ssub.s32 $0x0, s20;
	[sflag:s22] =	ssyncset.done $0x0  }
0xa0: {  	[sflag:s22] =	ssyncadd.s32 s3;
	_ =	sdelay $0x1  }
0xa1: {  	s23 =	simm.s32 $0x1B8B  }
0xa2: {  	_ =	swait.ge [sflag:s23], $0x1  }
0xa3: {  	[sflag:s23] =	ssyncset.done $0x0  }
0xa4: {  	s25 =	simm.s32 $0x1B8E;
	s24 =	sld [smem:$0x3FFE];
	[sflag:s23] =	ssyncadd.s32 $0xFFFFFFFF  }
0xa5: {  	s26 =	simm.s32 $execute0_lowered;
	[smem:$0x3FD2] =	sst s25  }
0xa6: {  	s4 =	sshll.u32 s26, $0x1;
	_ =	strace $0x8000004C;
	[dreg:$0x1] =	wrdreg $0xFFFFFFFF  }
0xa7: {  	s28 =	simm.s32 $_size_execute0_lowered;
	s2 =	sadd.s32 s2, s4;
	[dreg:$0x0] =	wrdreg $0x0  }
0xa8: {  	s4 =	sshll.u32 s28, $0x1;
	[dreg:$0x2] =	wrdreg s2  }
0xa9: {  	[dreg:$0x3] =	wrdreg s4  }
0xaa: {  	[dreg:$0x4] =	wrdreg $0xC0  }
0xab: {  	_ =	task [dreg:s6], $0x5FFFF  }
0xac: {  	[dreg:$0x1] =	wrdreg $0xFFFFFFFF  }
0xad: {  	[dreg:$0x0] =	wrdreg $0x60  }
0xae: {  	[dreg:$0x2] =	wrdreg s24  }
0xaf: {  	[dreg:$0x3] =	wrdreg $0x66800  }
0xb0: {  	[dreg:$0x4] =	wrdreg $0x9  }
0xb1: {  	_ =	task.clear_ibuf [dreg:s6], $0x5FFFF;
	_ =	strace $0x9000004C  }
0xb2: {  	s29 =	simm.s32 $0x9;
	_ =	strace $0x8000004E  }
0xb3: {  	_ =	swait.ge [sflag:s29], $0x1  }
0xb4: {  	[sflag:s29] =	ssyncadd.s32 $0xFFFFFFFF  }
0xb5: {  	_ =	strace $0x9000004E  }
0xb6: {  	_ =	sfence  }
0xb7: {  	s30 =	sld [smem:$0x0];
	_ =	sdelay $0x2  }
0xb8: {  	s31 =	sshll.u32 s1, $0xD;
	s1 =	sshrl.u32 s1, $0x2  }
0xb9: {  	s3 =	sand.u32 $0x4000, s31;
	s1 =	sadd.s32 s1, s30  }
0xba: {  	s0 =	sor.u32 s3, s0;
	s1 =	sshll.u32 s1, $0x11  }
0xbb: {  	s0 =	sor.u32 s1, s0  }
0xbc: {  	s0 =	sadd.s32 $0x8F2B, s0  }
0xbd: {  	[sflag:s0] =	ssyncadd.remote.s32 $0x1  }
0xbe: {  	_ =	sfence.sel $0xFFFF  }
0xbf: {  	[dreg:$0x0] =	wrdreg $0xFFFFFFFF;
	(pc) =	sbr.abs _section_cstart, $3  }
0xc0: {  	[dreg:$0x1] =	wrdreg $0xFFFFFFFF  }
0xc1: {  	_ =	task.clear_ibuf [dreg:s6], $0x2FFFF;
	_ =	strace $0x9FFFFFFF  }
0xc2: {  	(tm) =	ssettm $0x7FFFFFFF  }
0xc3: {  	_ =	shalt  }
tec
execute0_lowered:
.L_overlay_start_1:
0x0: {  	(tag) =	ssettag $0x1  }
0x1: {  	s0 =	srdreg.scid;
	s1 =	rddreg [dreg:$0x0]  }
0x2: {  	s2 =	rddreg [dreg:$0x1];
	s7 =	stileid.u32;
	s3 =	simm.s32 $0x0  }
0x3: {  	s11 =	simm.s32 $0x3;
	s12 =	simm.s32 $0x1400;
	s13 =	simm.s32 $0x7D  }
0x4: {  	s14 =	simm.s32 $0x2800;
	s16 =	simm.s32 $0x37A0;
	s19 =	simm.s32 $0x1  }
0x5: {  	s20 =	simm.s32 $0x180;
	s21 =	simm.s32 $0x56E0;
	s22 =	simm.s32 $0x1480  }
0x6: {  	s23 =	simm.s32 $0x2;
	s25 =	simm.s32 $0x0;
	s0 =	sand.u32 $0x1, s0  }
0x7: {  	[smem:$0x7FF] =	sst s3;
	s9 =	smul.u32 $0x5000, s7;
	s4 =	sshll.u32 s0, $0x4  }
0x8: {  	_ =	strace $0x8000004D;
	s6 =	smul.u32 $0xA000, s0;
	s0 =	ssub.s32 $0x2, s0  }
0x9: {  	s4 =	sor.u32 s7, s4;
	s31 =	sshrl.u32 s0, $0x1;
	s7 =	sshll.u32 s7, $0x6  }
0xa: {  	s10 =	sadd.s32 s9, s2;
	s24 =	sshrl.u32 s9, $0x3;
	s5 =	smul.u32 $0x280, s4  }
0xb: {  	s4 =	sadd.s32 $0x7200, s1;
	s0 =	ssub.s32 s0, s31;
	s10 =	sshrl.u32 s10, $0x3  }
0xc: {  	s8 =	sadd.s32 s5, s1;
	s5 =	sadd.s32 $0x16400, s1;
	s1 =	sadd.s32 s6, s1  }
0xd: {  	s9 =	smax.u32 s0, $0x1;
	s6 =	sor.u32 $0x1C03, s7;
	s1 =	sadd.s32 $0x16E00, s1  }
0xe: {  	s7 =	sadd.s32 $0x11400, s8;
	s8 =	sadd.s32 $0x2200, s8;
	s24 =	sadd.s32 s24, s1  }
.LBB2_1:
0xf: {  	[spmem:s10], [sflag:s6] =	dma.local [hbm:s5], $0xA00  }
0x10: {  	_ =	swait.ge [sflag:s11], $0xA00  }
0x11: {  	[sflag:s11] =	ssyncset.done $0x0  }
0x12: {  	[sflag:s11] =	ssyncadd.s32 $0xFFFFF600  }
0x13: {  	[tilespmem:s3], [sflag:$0x3] =	stream.linear.gather [hbm4b:s7+s3], $0x1400, $0x38;
	[tilespmem:$0xB680] =	vst v63  }
0x14: {  	_ =	swait.ge [sflag:s11], $0x1400  }
0x15: {  	[sflag:s11] =	ssyncset.done $0x0  }
0x16: {  	[sflag:s11] =	ssyncadd.s32 $0xFFFFEC00  }
0x17: {  	[tilespmem:s12], [sflag:$0x3] =	stream.linear.gather [hbm4b:s8+s3], $0x1400, $0x38;
	[tilespmem:$0xB680] =	vst v63  }
0x18: {  	_ =	swait.ge [sflag:s11], $0x1400  }
0x19: {  	[sflag:s11] =	ssyncset.done $0x0  }
0x1a: {  	[sflag:s11] =	ssyncadd.s32 $0xFFFFEC00  }
0x1b: {  	[bflag:$0x0] =	sbarrier.arrive $0xFFFF  }
0x1c: {  	[tilespmem:s14], [sflag:$0x1] =	stream.indirect.gather [hbm4b:s4+s13], $0x20, s3, s13, $0xb8;
	[tilespmem:$0xB680] =	vst v63  }
0x1d: {  	s0 =	simm.s32 $0x80  }
0x1e: {  	[tilespmem:s16], [sflag:$0x1] =	stream.indirect.gather [hbm4b:s4+s13], $0x20, s0, s13, $0xb8;
	[tilespmem:$0xB680] =	vst v63  }
0x1f: {  	s26 =	simm.s32 $0x100;
	s1 =	simm.s32 $0x4740  }
0x20: {  	[tilespmem:s1], [sflag:$0x1] =	stream.indirect.gather [hbm4b:s4+s13], $0x20, s26, s13, $0xb8;
	[tilespmem:$0xB680] =	vst v63  }
0x21: {  	_ =	swait.ge [sflag:s19], $0xFA0  }
0x22: {  	[sflag:s19] =	ssyncset.done $0x0  }
0x23: {  	[sflag:s19] =	ssyncadd.s32 $0xFFFFF060  }
0x24: {  	[spmem:s2] =	stream.indirect.scatter.add.f32 [tilespmem:s14], [sflag:$0x2], $0x20, s12, s13, $0xb8;
	[tilespmem:$0xB680] =	vst v63  }
0x25: {  	p0 =	por $0x0, $0x0;
	s31 =	simm.s32 $0x5  }
0x26: {  	[tilespmem:s21], [sflag:$0x1] =	stream.indirect.gather [hbm4b:s4+s13], $0x20, s20, s13, $0xb8;
	[tilespmem:$0xB680] =	vst v63  }
0x27: {  	s29 =	simm.s32 $0x2;
	s0 =	simm.s32 $0x4;
	_ =	swait.ge [sflag:s19], $0xFA0  }
0x28: {  	s30 =	simm.s32 $0x6;
	s0 =	sand.u32 @!p0 $0x3, s0;
	[sflag:s19] =	ssyncset.done $0x0  }
0x29: {  	s28 =	simm.s32 @!p0 $0x2;
	s0 =	smul.u32 @!p0 $0x3E80, s0;
	[sflag:s19] =	ssyncadd.s32 $0xFFFFF060  }
0x2a: {  	[spmem:s2] =	stream.indirect.scatter.add.f32 [tilespmem:s16], [sflag:$0x2], $0x20, s22, s13, $0xb8;
	[tilespmem:$0xB680] =	vst v63  }
0x2b: {  	s29 =	sand.u32 $0x3, s29;
	s26 =	simm.s32 $0x1500;
	_ =	swait.ge @!p0 [sflag:s28], $0xFA0  }
0x2c: {  	s1 =	simm.s32 $0x200;
	s0 =	sshrl.u32 @!p0 s0, $0x2;
	[sflag:s28] =	ssyncset.done @!p0 $0x0  }
0x2d: {  	s0 =	sadd.s32 @!p0 $0x2800, s0;
	[sflag:s28] =	ssyncadd.s32 @!p0 $0xFFFFF060;
	s28 =	simm.s32 @!p0 $0x7D  }
0x2e: {  	[tilespmem:s0], [sflag:$0x1] =	stream.indirect.gather @!p0 [hbm4b:s4+s28], $0x20, s1, s28, $0xb8;
	[tilespmem:$0xB680] =	vst v63  }
0x2f: {  	s1 =	smul.u32 $0x3E80, s29;
	s29 =	simm.s32 $0x280;
	_ =	swait.ge [sflag:s19], $0xFA0  }
0x30: {  	s0 =	simm.s32 $0x3;
	s28 =	simm.s32 $0x1580;
	[sflag:s19] =	ssyncset.done $0x0  }
.LBB2_2:
0x31: {  	p0 =	sgt.u32 s0, $0x25;
	s1 =	sshrl.u32 s1, $0x2;
	s15 =	smov.u32 s30  }
0x32: {  	s30 =	sadd.s32 $0x1, s30;
	s17 =	smov.u32 s26;
	s26 =	smov.u32 s28  }
0x33: {  	s18 =	simm.s32 @!p0 $0x2;
	s31 =	sand.u32 @!p0 $0x3, s31;
	s1 =	sadd.s32 $0x2800, s1  }
0x34: {  	p1 =	sne.s32 s30, $0x2A;
	s31 =	smul.u32 @!p0 $0x3E80, s31;
	[sflag:s19] =	ssyncadd.s32 $0xFFFFF060  }
0x35: {  	[spmem:s2] =	stream.indirect.scatter.add.f32 [tilespmem:s1], [sflag:$0x2], $0x20, s17, s13, $0xb8;
	[tilespmem:$0xB680] =	vst v63  }
0x36: {  	_ =	swait.ge @!p0 [sflag:s18], $0xFA0;
	s1 =	sshrl.u32 @!p0 s31, $0x2;
	s31 =	smov.u32 s15  }
.Ltmp0:
0x37: {  	[sflag:s18] =	ssyncset.done @!p0 $0x0;
	s1 =	sadd.s32 @!p0 $0x2800, s1;
	(pc) =	sbr.rel @p1 .LBB2_2-.Ltmp0, $4  }
0x38: {  	s0 =	sand.u32 $0x3, s0;
	s15 =	simm.s32 @!p0 $0x7D;
	[sflag:s18] =	ssyncadd.s32 @!p0 $0xFFFFF060  }
0x39: {  	[tilespmem:s1], [sflag:$0x1] =	stream.indirect.gather @!p0 [hbm4b:s4+s15], $0x20, s29, s15, $0xb8;
	[tilespmem:$0xB680] =	vst v63  }
0x3a: {  	s1 =	smul.u32 $0x3E80, s0;
	s29 =	sadd.s32 $0x80, s29;
	_ =	swait.ge [sflag:s19], $0xFA0  }
0x3b: {  	s28 =	sadd.s32 $0x80, s28;
	s0 =	sadd.s32 $0xFFFFFFFE, s31;
	[sflag:s19] =	ssyncset.done $0x0  }
0x3c: {  	p0 =	sgt.u32 s0, $0x25  }
0x3d: {  	s1 =	sshrl.u32 s1, $0x2;
	[sflag:s19] =	ssyncadd.s32 $0xFFFFF060;
	s17 =	sand.u32 @!p0 $0x3, s31  }
0x3e: {  	s15 =	simm.s32 @!p0 $0x2;
	s1 =	sadd.s32 $0x2800, s1;
	s17 =	smul.u32 @!p0 $0x3E80, s17  }
0x3f: {  	[spmem:s2] =	stream.indirect.scatter.add.f32 [tilespmem:s1], [sflag:$0x2], $0x20, s26, s13, $0xb8;
	[tilespmem:$0xB680] =	vst v63  }
0x40: {  	s31 =	sand.u32 $0x3, s0;
	_ =	swait.ge @!p0 [sflag:s15], $0xFA0  }
0x41: {  	s0 =	smul.u32 $0x3E80, s31;
	s1 =	sshrl.u32 @!p0 s17, $0x2;
	[sflag:s15] =	ssyncset.done @!p0 $0x0  }
0x42: {  	s1 =	sadd.s32 @!p0 $0x2800, s1;
	[sflag:s15] =	ssyncadd.s32 @!p0 $0xFFFFF060;
	s15 =	simm.s32 @!p0 $0x7D  }
0x43: {  	[tilespmem:s1], [sflag:$0x1] =	stream.indirect.gather @!p0 [hbm4b:s4+s15], $0x20, s29, s15, $0xb8;
	[tilespmem:$0xB680] =	vst v63  }
0x44: {  	_ =	swait.ge [sflag:s19], $0xFA0  }
0x45: {  	s0 =	sshrl.u32 s0, $0x2;
	[sflag:s19] =	ssyncset.done $0x0  }
0x46: {  	s0 =	sadd.s32 $0x2800, s0;
	[sflag:s19] =	ssyncadd.s32 $0xFFFFF060  }
0x47: {  	[spmem:s2] =	stream.indirect.scatter.add.f32 [tilespmem:s0], [sflag:$0x2], $0x20, s28, s13, $0xb8;
	[tilespmem:$0xB680] =	vst v63  }
0x48: {  	_ =	swait.ge [sflag:s23], $0xFA0  }
0x49: {  	[sflag:s23] =	ssyncset.done $0x0  }
0x4a: {  	[sflag:s23] =	ssyncadd.s32 $0xFFFFF060  }
0x4b: {  	_ =	swait.ge [sflag:s23], $0xFA0  }
0x4c: {  	[sflag:s23] =	ssyncset.done $0x0  }
0x4d: {  	[sflag:s23] =	ssyncadd.s32 $0xFFFFF060  }
0x4e: {  	_ =	swait.ge [sflag:s23], $0xFA0  }
0x4f: {  	[sflag:s23] =	ssyncset.done $0x0  }
0x50: {  	[sflag:s23] =	ssyncadd.s32 $0xFFFFF060  }
0x51: {  	_ =	swait.ge [sflag:s23], $0xFA0  }
0x52: {  	s25 =	sadd.s32 $0x1, s25;
	[sflag:s23] =	ssyncset.done $0x0  }
0x53: {  	p0 =	sne.s32 s25, s9;
	[sflag:s23] =	ssyncadd.s32 $0xFFFFF060  }
.Ltmp1:
0x54: {  	[bflag:$0x0] =	sbarrier.arrive $0xFFFF;
	(pc) =	sbr.rel @p0 .LBB2_1-.Ltmp1, $4  }
0x55: {  	[hbm:s24], [sflag:s6] =	dma.local [spmem:s10], $0xA00  }
0x56: {  	_ =	swait.ge [sflag:s11], $0xA00  }
0x57: {  	[sflag:s11] =	ssyncset.done $0x0  }
0x58: {  	[sflag:s11] =	ssyncadd.s32 $0xFFFFF600  }
0x59: {  	_ =	sfence.sel $0x180000  }
0x5a: {  	[bflag:$0x0] =	sbarrier.arrive $0xFFFF  }
0x5b: {  	_ =	strace $0x9000004D  }
0x5c: {  	s0 =	stileid.u32;
	[bflag:$0x2] =	sbarrier.arrive $0xFFFF  }
0x5d: {  	p0 =	sne.s32 s0, $0x0;
	s0 =	rddreg [dreg:$0x2]  }
0x5e: {  	s0 =	sadd.s32 @!p0 $0x100000, s0  }
0x5f: {  	[sflag:s0] =	ssyncadd.tile.s32 @!p0 $0x1;
	_ =	shalt  }
.Lfunc_end2:
_tile_overlayer_lowered:
.L_overlay_start_2:
0x60: {  	(tag) =	ssettag $0x2  }
0x61: {  	s0 =	rddreg [dreg:$0x0];
	s2 =	stileid.u32  }
0x62: {  	s1 =	rddreg [dreg:$0x1];
	p0 =	sne.s32 s2, $0x0  }
0x63: {  	s3 =	rddreg [dreg:$0x2];
	[bflag:$0x3] =	sbarrier.arrive $0xFFFF;
	s2 =	simm.s32 @!p0 $0x1C03  }
0x64: {  	[timem:s3], [sflag:s2] =	dma.local @!p0 [hbm:s0], s1  }
0x65: {  	s0 =	simm.s32 @!p0 $0x3  }
0x66: {  	_ =	swait.ge @!p0 [sflag:s0], s1  }
0x67: {  	s1 =	ssub.s32 @!p0 $0x0, s1;
	[sflag:s0] =	ssyncset.done @!p0 $0x0  }
0x68: {  	[sflag:s0] =	ssyncadd.s32 @!p0 s1  }
0x69: {  	[bflag:$0x3] =	sbarrier.arrive $0xFFFF  }
0x6a: {  	_ =	shalt  }

// kernel: gcn_sc_scatter_64.3.cloned.1.call-start
scs
__scs_entry_jumppad:
0x0: {  	(pc) =	sbr.rel $0x88, $3  }
0x1: {  	(tag) =	ssettag $0x0;
	lr =	simm.s32 $0x1  }
0x2: {  	[smem:$0x3F97] =	sst lr;
	_ =	strace $0xD0000000  }
0x3: {  	_ = 	snop  }
0x4: {  	_ = 	snop  }
0x5: {  	_ = 	snop  }
0x6: {  	_ = 	snop  }
0x7: {  	_ = 	snop  }
__scs_overlays_trampoline_lowered:
0x8: {  	[smem:$0x3FA6] =	sst s0  }
0x9: {  	[smem:$0x3FA7] =	sst s1  }
0xa: {  	[smem:$0x3FA8] =	sst s2  }
0xb: {  	[smem:$0x3FA9] =	sst s3  }
0xc: {  	[smem:$0x3FAA] =	sst s4  }
0xd: {  	[smem:$0x3FAB] =	sst s5  }
0xe: {  	[smem:$0x3FAC] =	sst s6  }
0xf: {  	[smem:$0x3FAD] =	sst s7  }
0x10: {  	[smem:$0x3FAE] =	sst s8  }
0x11: {  	[smem:$0x3FAF] =	sst s9;
	s0 =	simm.s32 @!p0 $0x0  }
0x12: {  	s1 =	sld [smem:$0x3F95];
	s0 =	simm.s32 @p0 $0x1  }
0x13: {  	[smem:$0x3FB0] =	sst s0;
	s0 =	simm.s32 @!p1 $0x0  }
0x14: {  	s2 =	sld [smem:$0x3F94];
	s0 =	simm.s32 @p1 $0x1  }
0x15: {  	[smem:$0x3FB1] =	sst s0;
	s0 =	simm.s32 @!p2 $0x0  }
0x16: {  	s3 =	sld [smem:$0x3FDB];
	s0 =	simm.s32 @p2 $0x1  }
0x17: {  	s4 =	simm.s32 $0x1BF5;
	[smem:$0x3FB3] =	sst s0  }
0x18: {  	s0 =	sld [smem:$0x3F96];
	_ =	swait.ge [sflag:s4], $0x0  }
0x19: {  	s7 =	sld [smem:$0x3F97]  }
0x1a: {  	s8 =	sadd.s32 $0xFFFFE003, lr  }
0x1b: {  	s9 =	sadd.s32 $0xFFFFFEF7, lr;
	s5 =	simm.s32 $0xFFFFFFFF;
	p2 =	slt.u32 s8, $0xFFFFF086  }
0x1c: {  	p1 =	slt.u32 s9, $0xF7A;
	s5 =	simm.s32 @!p2 $0x0  }
0x1d: {  	s5 =	simm.s32 @p1 $0x1;
	p0 =	seq.s32 s7, s2  }
0x1e: {  	s7 =	smul.u32 @!p0 $0xF7A, s2;
	p2 =	seq.s32 @!p0 s5, $0x0  }
0x1f: {  	s9 =	smul.u32 $0xF7A, s1;
	s8 =	simm.s32 @!p0 $0x1BF5;
	p2 =	por !p2, p0  }
0x20: {  	[sflag:s8] =	ssyncset.s32 @!p0 $0xFFFFF086;
	s6 =	sadd.s32 @!p0 s3, s7;
	s7 =	simm.s32 @!p0 $0x108  }
0x21: {  	s3 =	sadd.s32 s3, s9;
	s6 =	sadd.s32 @!p0 $0x88, s6;
	s7 =	simm.s32 @p2 $0x1082  }
0x22: {  	[simem:s7], [sflag:s8] =	dma.local @!p0 [hbm:s6], $0xF7A  }
0x23: {  	s9 =	sor.u32 $0xD0000000, s2;
	s6 =	simm.s32 $0x108;
	_ =	swait.ge @!p0 [sflag:s8], $0x0  }
0x24: {  	s3 =	sadd.s32 $0x88, s3;
	s6 =	simm.s32 @!p1 $0x1082;
	[sflag:s4] =	ssyncset.s32 $0xFFFFF086  }
0x25: {  	[simem:s6], [sflag:s4] =	dma.local [hbm:s3], $0xF7A  }
0x26: {  	[smem:$0x3F97] =	sst s1;
	(tag) =	ssettag s2;
	_ =	strace s9  }
0x27: {  	s1 =	sld [smem:$0x3FA7]  }
0x28: {  	s2 =	sld [smem:$0x3FA8]  }
0x29: {  	s4 =	sld [smem:$0x3FAA]  }
0x2a: {  	p0 =	seq.s32 s5, $0x0;
	s5 =	sld [smem:$0x3FAB]  }
0x2b: {  	s6 =	sld [smem:$0x3FAC]  }
0x2c: {  	s7 =	sld [smem:$0x3FAD]  }
0x2d: {  	s3 =	simm.s32 $0x108;
	s8 =	sld [smem:$0x3FAE]  }
0x2e: {  	s3 =	simm.s32 @!p0 $0x1082;
	s9 =	sld [smem:$0x3FAF]  }
0x2f: {  	lr =	sadd.s32 s0, s3;
	s0 =	sld [smem:$0x3FA6]  }
0x30: {  	s3 =	sld [smem:$0x3FA9]  }
0x31: {  	[smem:$0x3FB2] =	sst s10  }
0x32: {  	s10 =	sld [smem:$0x3FB0];
	_ =	sdelay $0x3  }
0x33: {  	p0 =	seq.s32 s10, $0x1;
	s10 =	sld [smem:$0x3FB2];
	_ =	sdelay $0x3  }
0x34: {  	[smem:$0x3FB2] =	sst s10  }
0x35: {  	s10 =	sld [smem:$0x3FB1];
	_ =	sdelay $0x3  }
0x36: {  	p1 =	seq.s32 s10, $0x1;
	s10 =	sld [smem:$0x3FB2];
	_ =	sdelay $0x3  }
0x37: {  	[smem:$0x3FB2] =	sst s10  }
0x38: {  	s10 =	sld [smem:$0x3FB3]  }
0x39: {  	_ = 	snop;
	(pc) =	sbr.ind lr, $3  }
0x3a: {  	_ = 	snop  }
0x3b: {  	_ = 	snop  }
0x3c: {  	p2 =	seq.s32 s10, $0x1;
	s10 =	sld [smem:$0x3FB2]  }
0x3d: {  	_ =	shalt  }
0x3e: {  	_ =	shalt  }
0x3f: {  	_ =	shalt  }
0x40: {  	_ =	shalt  }
0x41: {  	_ =	shalt  }
0x42: {  	_ =	shalt  }
0x43: {  	_ =	shalt  }
0x44: {  	_ =	shalt  }
0x45: {  	_ =	shalt  }
0x46: {  	_ =	shalt  }
0x47: {  	_ =	shalt  }
0x48: {  	_ =	shalt  }
0x49: {  	_ =	shalt  }
0x4a: {  	_ =	shalt  }
0x4b: {  	_ =	shalt  }
0x4c: {  	_ =	shalt  }
0x4d: {  	_ =	shalt  }
0x4e: {  	_ =	shalt  }
0x4f: {  	_ =	shalt  }
0x50: {  	_ =	shalt  }
0x51: {  	_ =	shalt  }
0x52: {  	_ =	shalt  }
0x53: {  	_ =	shalt  }
0x54: {  	_ =	shalt  }
0x55: {  	_ =	shalt  }
0x56: {  	_ =	shalt  }
0x57: {  	_ =	shalt  }
0x58: {  	_ =	shalt  }
0x59: {  	_ =	shalt  }
0x5a: {  	_ =	shalt  }
0x5b: {  	_ =	shalt  }
0x5c: {  	_ =	shalt  }
0x5d: {  	_ =	shalt  }
0x5e: {  	_ =	shalt  }
0x5f: {  	_ =	shalt  }
0x60: {  	_ =	shalt  }
0x61: {  	_ =	shalt  }
0x62: {  	_ =	shalt  }
0x63: {  	_ =	shalt  }
0x64: {  	_ =	shalt  }
0x65: {  	_ =	shalt  }
0x66: {  	_ =	shalt  }
0x67: {  	_ =	shalt  }
0x68: {  	_ =	shalt  }
0x69: {  	_ =	shalt  }
0x6a: {  	_ =	shalt  }
0x6b: {  	_ =	shalt  }
0x6c: {  	_ =	shalt  }
0x6d: {  	_ =	shalt  }
0x6e: {  	_ =	shalt  }
0x6f: {  	_ =	shalt  }
0x70: {  	_ =	shalt  }
0x71: {  	_ =	shalt  }
0x72: {  	_ =	shalt  }
0x73: {  	_ =	shalt  }
0x74: {  	_ =	shalt  }
0x75: {  	_ =	shalt  }
0x76: {  	_ =	shalt  }
0x77: {  	_ =	shalt  }
0x78: {  	_ =	shalt  }
0x79: {  	_ =	shalt  }
0x7a: {  	_ =	shalt  }
0x7b: {  	_ =	shalt  }
0x7c: {  	_ =	shalt  }
0x7d: {  	_ =	shalt  }
0x7e: {  	_ =	shalt  }
0x7f: {  	_ =	shalt  }
0x80: {  	_ =	shalt  }
0x81: {  	_ =	shalt  }
0x82: {  	_ =	shalt  }
0x83: {  	_ =	shalt  }
0x84: {  	_ =	shalt  }
0x85: {  	_ =	shalt  }
0x86: {  	_ =	shalt  }
0x87: {  	_ =	shalt  }
.Lfunc_end0:
.L_simem_size_0:
called_computation.1_lowered:
.L_overlay_start_0:
0x88: {  	s2 =	sld [smem:$0x3FD9]  }
0x89: {  	s3 =	sld [smem:$0x3FFE];
	_ =	sdelay $0x1  }
0x8a: {  	s1 =	srdreg.scid  }
0x8b: {  	s0 =	sand.u32 $0x1, s1  }
0x8c: {  	s16 =	sshll.u32 s0, $0xA;
	s2 =	sadd.s32 s3, s2  }
0x8d: {  	s2 =	sadd.s32 s2, s16  }
0x8e: {  	[smem:$0x3FBE] =	sst s2  }
0x8f: {  	_ = 	snop  }
0x90: {  	(tm) =	ssettm $0x1  }
0x91: {  	s17 =	sld [smem:$0x3FFB];
	_ =	sdelay $0x3  }
0x92: {  	_ =	strace s17  }
0x93: {  	s2 =	sld [smem:$0x3FFC];
	_ =	sdelay $0x3  }
0x94: {  	_ =	strace s2  }
0x95: {  	s2 =	sld [smem:$0x3FFD];
	_ =	sdelay $0x3  }
0x96: {  	_ =	strace s2  }
0x97: {  	_ =	strace $0x8FFFFFFF  }
0x98: {  	s18 =	sld [smem:$0x3FDB];
	_ =	sdelay $0x1  }
0x99: {  	s19 =	simm.s32 $_scs_section_size  }
0x9a: {  	s4 =	simm.s32 $_size__tile_overlayer_lowered;
	s5 =	simm.s32 $_tile_overlayer_lowered  }
0x9b: {  	s22 =	simm.s32 $0x1BFF;
	s21 =	sshll.u32 s5, $0x1;
	s2 =	sadd.s32 s19, s18  }
0x9c: {  	s6 =	simm.s32 $0x0;
	s20 =	sshll.u32 s4, $0x1;
	s4 =	sadd.s32 s21, s2  }
0x9d: {  	[timem:s6], [sflag:s22] =	dma.local [hbm:s4], s20  }
0x9e: {  	_ =	swait.ge [sflag:s22], s20  }
0x9f: {  	s3 =	ssub.s32 $0x0, s20;
	[sflag:s22] =	ssyncset.done $0x0  }
0xa0: {  	[sflag:s22] =	ssyncadd.s32 s3;
	_ =	sdelay $0x1  }
0xa1: {  	s23 =	simm.s32 $0x1B8B  }
0xa2: {  	_ =	swait.ge [sflag:s23], $0x1  }
0xa3: {  	[sflag:s23] =	ssyncset.done $0x0  }
0xa4: {  	s25 =	simm.s32 $0x1B8E;
	s24 =	sld [smem:$0x3FFE];
	[sflag:s23] =	ssyncadd.s32 $0xFFFFFFFF  }
0xa5: {  	s26 =	simm.s32 $execute0_lowered;
	[smem:$0x3FD2] =	sst s25  }
0xa6: {  	s4 =	sshll.u32 s26, $0x1;
	_ =	strace $0x80000049;
	[dreg:$0x1] =	wrdreg $0xFFFFFFFF  }
0xa7: {  	s28 =	simm.s32 $_size_execute0_lowered;
	s2 =	sadd.s32 s2, s4;
	[dreg:$0x0] =	wrdreg $0x0  }
0xa8: {  	s4 =	sshll.u32 s28, $0x1;
	[dreg:$0x2] =	wrdreg s2  }
0xa9: {  	[dreg:$0x3] =	wrdreg s4  }
0xaa: {  	[dreg:$0x4] =	wrdreg $0xC0  }
0xab: {  	_ =	task [dreg:s6], $0x5FFFF  }
0xac: {  	[dreg:$0x1] =	wrdreg $0xFFFFFFFF  }
0xad: {  	[dreg:$0x0] =	wrdreg $0x60  }
0xae: {  	[dreg:$0x2] =	wrdreg s24  }
0xaf: {  	[dreg:$0x3] =	wrdreg $0xA5000  }
0xb0: {  	[dreg:$0x4] =	wrdreg $0x9  }
0xb1: {  	_ =	task.clear_ibuf [dreg:s6], $0x5FFFF;
	_ =	strace $0x90000049  }
0xb2: {  	s29 =	simm.s32 $0x9;
	_ =	strace $0x8000004B  }
0xb3: {  	_ =	swait.ge [sflag:s29], $0x1  }
0xb4: {  	[sflag:s29] =	ssyncadd.s32 $0xFFFFFFFF  }
0xb5: {  	_ =	strace $0x9000004B  }
0xb6: {  	_ =	sfence  }
0xb7: {  	s30 =	sld [smem:$0x0];
	_ =	sdelay $0x2  }
0xb8: {  	s31 =	sshll.u32 s1, $0xD;
	s1 =	sshrl.u32 s1, $0x2  }
0xb9: {  	s3 =	sand.u32 $0x4000, s31;
	s1 =	sadd.s32 s1, s30  }
0xba: {  	s0 =	sor.u32 s3, s0;
	s1 =	sshll.u32 s1, $0x11  }
0xbb: {  	s0 =	sor.u32 s1, s0  }
0xbc: {  	s0 =	sadd.s32 $0x8F2B, s0  }
0xbd: {  	[sflag:s0] =	ssyncadd.remote.s32 $0x1  }
0xbe: {  	_ =	sfence.sel $0xFFFF  }
0xbf: {  	[dreg:$0x0] =	wrdreg $0xFFFFFFFF;
	(pc) =	sbr.abs _section_cstart, $3  }
0xc0: {  	[dreg:$0x1] =	wrdreg $0xFFFFFFFF  }
0xc1: {  	_ =	task.clear_ibuf [dreg:s6], $0x2FFFF;
	_ =	strace $0x9FFFFFFF  }
0xc2: {  	(tm) =	ssettm $0x7FFFFFFF  }
0xc3: {  	_ =	shalt  }
tec
execute0_lowered:
.L_overlay_start_1:
0x0: {  	(tag) =	ssettag $0x1  }
0x1: {  	s0 =	srdreg.scid;
	s1 =	rddreg [dreg:$0x0]  }
0x2: {  	s2 =	rddreg [dreg:$0x1];
	s7 =	stileid.u32;
	s3 =	simm.s32 $0x0  }
0x3: {  	s11 =	simm.s32 $0x3;
	s12 =	simm.s32 $0x1400;
	s13 =	simm.s32 $0x7D  }
0x4: {  	s14 =	simm.s32 $0x2800;
	s16 =	simm.s32 $0x4740;
	s19 =	simm.s32 $0x1  }
0x5: {  	s20 =	simm.s32 $0x180;
	s21 =	simm.s32 $0x85C0;
	s22 =	simm.s32 $0x1480  }
0x6: {  	s23 =	simm.s32 $0x2;
	s25 =	simm.s32 $0x0;
	s0 =	sand.u32 $0x1, s0  }
0x7: {  	[smem:$0x7FF] =	sst s3;
	s9 =	smul.u32 $0xA000, s7;
	s4 =	sshll.u32 s0, $0x4  }
0x8: {  	_ =	strace $0x8000004A;
	s6 =	smul.u32 $0x14000, s0;
	s0 =	ssub.s32 $0x2, s0  }
0x9: {  	s4 =	sor.u32 s7, s4;
	s31 =	sshrl.u32 s0, $0x1;
	s7 =	sshll.u32 s7, $0x6  }
0xa: {  	s10 =	sadd.s32 s9, s2;
	s24 =	sshrl.u32 s9, $0x3;
	s5 =	smul.u32 $0x280, s4  }
0xb: {  	s4 =	sadd.s32 $0x16400, s1;
	s0 =	ssub.s32 s0, s31;
	s10 =	sshrl.u32 s10, $0x3  }
0xc: {  	s8 =	sadd.s32 s5, s1;
	s5 =	sadd.s32 $0x7200, s1;
	s1 =	sadd.s32 s6, s1  }
0xd: {  	s9 =	smax.u32 s0, $0x1;
	s6 =	sor.u32 $0x1C03, s7;
	s1 =	sadd.s32 $0x29E00, s1  }
0xe: {  	s7 =	sadd.s32 $0x11400, s8;
	s8 =	sadd.s32 $0x2200, s8;
	s24 =	sadd.s32 s24, s1  }
.LBB2_1:
0xf: {  	[spmem:s10], [sflag:s6] =	dma.local [hbm:s5], $0x1400  }
0x10: {  	_ =	swait.ge [sflag:s11], $0x1400  }
0x11: {  	[sflag:s11] =	ssyncset.done $0x0  }
0x12: {  	[sflag:s11] =	ssyncadd.s32 $0xFFFFEC00  }
0x13: {  	[tilespmem:s3], [sflag:$0x3] =	stream.linear.gather [hbm4b:s7+s3], $0x1400, $0x38;
	[tilespmem:$0x14500] =	vst v63  }
0x14: {  	_ =	swait.ge [sflag:s11], $0x1400  }
0x15: {  	[sflag:s11] =	ssyncset.done $0x0  }
0x16: {  	[sflag:s11] =	ssyncadd.s32 $0xFFFFEC00  }
0x17: {  	[tilespmem:s12], [sflag:$0x3] =	stream.linear.gather [hbm4b:s8+s3], $0x1400, $0x38;
	[tilespmem:$0x14500] =	vst v63  }
0x18: {  	_ =	swait.ge [sflag:s11], $0x1400  }
0x19: {  	[sflag:s11] =	ssyncset.done $0x0  }
0x1a: {  	[sflag:s11] =	ssyncadd.s32 $0xFFFFEC00  }
0x1b: {  	[bflag:$0x0] =	sbarrier.arrive $0xFFFF  }
0x1c: {  	[tilespmem:s14], [sflag:$0x1] =	stream.indirect.gather [hbm4b:s4+s13], $0x40, s3, s13, $0xb8;
	[tilespmem:$0x14500] =	vst v63  }
0x1d: {  	s0 =	simm.s32 $0x80  }
0x1e: {  	[tilespmem:s16], [sflag:$0x1] =	stream.indirect.gather [hbm4b:s4+s13], $0x40, s0, s13, $0xb8;
	[tilespmem:$0x14500] =	vst v63  }
0x1f: {  	s26 =	simm.s32 $0x100;
	s1 =	simm.s32 $0x6680  }
0x20: {  	[tilespmem:s1], [sflag:$0x1] =	stream.indirect.gather [hbm4b:s4+s13], $0x40, s26, s13, $0xb8;
	[tilespmem:$0x14500] =	vst v63  }
0x21: {  	_ =	swait.ge [sflag:s19], $0x1F40  }
0x22: {  	[sflag:s19] =	ssyncset.done $0x0  }
0x23: {  	[sflag:s19] =	ssyncadd.s32 $0xFFFFE0C0  }
0x24: {  	[spmem:s2] =	stream.indirect.scatter.add.f32 [tilespmem:s14], [sflag:$0x2], $0x40, s12, s13, $0xb8;
	[tilespmem:$0x14500] =	vst v63  }
0x25: {  	p0 =	por $0x0, $0x0;
	s31 =	simm.s32 $0x5  }
0x26: {  	[tilespmem:s21], [sflag:$0x1] =	stream.indirect.gather [hbm4b:s4+s13], $0x40, s20, s13, $0xb8;
	[tilespmem:$0x14500] =	vst v63  }
0x27: {  	s29 =	simm.s32 $0x2;
	s0 =	simm.s32 $0x4;
	_ =	swait.ge [sflag:s19], $0x1F40  }
0x28: {  	s30 =	simm.s32 $0x6;
	s0 =	sand.u32 @!p0 $0x3, s0;
	[sflag:s19] =	ssyncset.done $0x0  }
0x29: {  	s28 =	simm.s32 @!p0 $0x2;
	s0 =	smul.u32 @!p0 $0x7D00, s0;
	[sflag:s19] =	ssyncadd.s32 $0xFFFFE0C0  }
0x2a: {  	[spmem:s2] =	stream.indirect.scatter.add.f32 [tilespmem:s16], [sflag:$0x2], $0x40, s22, s13, $0xb8;
	[tilespmem:$0x14500] =	vst v63  }
0x2b: {  	s29 =	sand.u32 $0x3, s29;
	s26 =	simm.s32 $0x1500;
	_ =	swait.ge @!p0 [sflag:s28], $0x1F40  }
0x2c: {  	s1 =	simm.s32 $0x200;
	s0 =	sshrl.u32 @!p0 s0, $0x2;
	[sflag:s28] =	ssyncset.done @!p0 $0x0  }
0x2d: {  	s0 =	sadd.s32 @!p0 $0x2800, s0;
	[sflag:s28] =	ssyncadd.s32 @!p0 $0xFFFFE0C0;
	s28 =	simm.s32 @!p0 $0x7D  }
0x2e: {  	[tilespmem:s0], [sflag:$0x1] =	stream.indirect.gather @!p0 [hbm4b:s4+s28], $0x40, s1, s28, $0xb8;
	[tilespmem:$0x14500] =	vst v63  }
0x2f: {  	s1 =	smul.u32 $0x7D00, s29;
	s29 =	simm.s32 $0x280;
	_ =	swait.ge [sflag:s19], $0x1F40  }
0x30: {  	s0 =	simm.s32 $0x3;
	s28 =	simm.s32 $0x1580;
	[sflag:s19] =	ssyncset.done $0x0  }
.LBB2_2:
0x31: {  	p0 =	sgt.u32 s0, $0x25;
	s1 =	sshrl.u32 s1, $0x2;
	s15 =	smov.u32 s30  }
0x32: {  	s30 =	sadd.s32 $0x1, s30;
	s17 =	smov.u32 s26;
	s26 =	smov.u32 s28  }
0x33: {  	s18 =	simm.s32 @!p0 $0x2;
	s31 =	sand.u32 @!p0 $0x3, s31;
	s1 =	sadd.s32 $0x2800, s1  }
0x34: {  	p1 =	sne.s32 s30, $0x2A;
	s31 =	smul.u32 @!p0 $0x7D00, s31;
	[sflag:s19] =	ssyncadd.s32 $0xFFFFE0C0  }
0x35: {  	[spmem:s2] =	stream.indirect.scatter.add.f32 [tilespmem:s1], [sflag:$0x2], $0x40, s17, s13, $0xb8;
	[tilespmem:$0x14500] =	vst v63  }
0x36: {  	_ =	swait.ge @!p0 [sflag:s18], $0x1F40;
	s1 =	sshrl.u32 @!p0 s31, $0x2;
	s31 =	smov.u32 s15  }
.Ltmp0:
0x37: {  	[sflag:s18] =	ssyncset.done @!p0 $0x0;
	s1 =	sadd.s32 @!p0 $0x2800, s1;
	(pc) =	sbr.rel @p1 .LBB2_2-.Ltmp0, $4  }
0x38: {  	s0 =	sand.u32 $0x3, s0;
	s15 =	simm.s32 @!p0 $0x7D;
	[sflag:s18] =	ssyncadd.s32 @!p0 $0xFFFFE0C0  }
0x39: {  	[tilespmem:s1], [sflag:$0x1] =	stream.indirect.gather @!p0 [hbm4b:s4+s15], $0x40, s29, s15, $0xb8;
	[tilespmem:$0x14500] =	vst v63  }
0x3a: {  	s1 =	smul.u32 $0x7D00, s0;
	s29 =	sadd.s32 $0x80, s29;
	_ =	swait.ge [sflag:s19], $0x1F40  }
0x3b: {  	s28 =	sadd.s32 $0x80, s28;
	s0 =	sadd.s32 $0xFFFFFFFE, s31;
	[sflag:s19] =	ssyncset.done $0x0  }
0x3c: {  	p0 =	sgt.u32 s0, $0x25  }
0x3d: {  	s1 =	sshrl.u32 s1, $0x2;
	[sflag:s19] =	ssyncadd.s32 $0xFFFFE0C0;
	s17 =	sand.u32 @!p0 $0x3, s31  }
0x3e: {  	s15 =	simm.s32 @!p0 $0x2;
	s1 =	sadd.s32 $0x2800, s1;
	s17 =	smul.u32 @!p0 $0x7D00, s17  }
0x3f: {  	[spmem:s2] =	stream.indirect.scatter.add.f32 [tilespmem:s1], [sflag:$0x2], $0x40, s26, s13, $0xb8;
	[tilespmem:$0x14500] =	vst v63  }
0x40: {  	s31 =	sand.u32 $0x3, s0;
	_ =	swait.ge @!p0 [sflag:s15], $0x1F40  }
0x41: {  	s0 =	smul.u32 $0x7D00, s31;
	s1 =	sshrl.u32 @!p0 s17, $0x2;
	[sflag:s15] =	ssyncset.done @!p0 $0x0  }
0x42: {  	s1 =	sadd.s32 @!p0 $0x2800, s1;
	[sflag:s15] =	ssyncadd.s32 @!p0 $0xFFFFE0C0;
	s15 =	simm.s32 @!p0 $0x7D  }
0x43: {  	[tilespmem:s1], [sflag:$0x1] =	stream.indirect.gather @!p0 [hbm4b:s4+s15], $0x40, s29, s15, $0xb8;
	[tilespmem:$0x14500] =	vst v63  }
0x44: {  	_ =	swait.ge [sflag:s19], $0x1F40  }
0x45: {  	s0 =	sshrl.u32 s0, $0x2;
	[sflag:s19] =	ssyncset.done $0x0  }
0x46: {  	s0 =	sadd.s32 $0x2800, s0;
	[sflag:s19] =	ssyncadd.s32 $0xFFFFE0C0  }
0x47: {  	[spmem:s2] =	stream.indirect.scatter.add.f32 [tilespmem:s0], [sflag:$0x2], $0x40, s28, s13, $0xb8;
	[tilespmem:$0x14500] =	vst v63  }
0x48: {  	_ =	swait.ge [sflag:s23], $0x1F40  }
0x49: {  	[sflag:s23] =	ssyncset.done $0x0  }
0x4a: {  	[sflag:s23] =	ssyncadd.s32 $0xFFFFE0C0  }
0x4b: {  	_ =	swait.ge [sflag:s23], $0x1F40  }
0x4c: {  	[sflag:s23] =	ssyncset.done $0x0  }
0x4d: {  	[sflag:s23] =	ssyncadd.s32 $0xFFFFE0C0  }
0x4e: {  	_ =	swait.ge [sflag:s23], $0x1F40  }
0x4f: {  	[sflag:s23] =	ssyncset.done $0x0  }
0x50: {  	[sflag:s23] =	ssyncadd.s32 $0xFFFFE0C0  }
0x51: {  	_ =	swait.ge [sflag:s23], $0x1F40  }
0x52: {  	s25 =	sadd.s32 $0x1, s25;
	[sflag:s23] =	ssyncset.done $0x0  }
0x53: {  	p0 =	sne.s32 s25, s9;
	[sflag:s23] =	ssyncadd.s32 $0xFFFFE0C0  }
.Ltmp1:
0x54: {  	[bflag:$0x0] =	sbarrier.arrive $0xFFFF;
	(pc) =	sbr.rel @p0 .LBB2_1-.Ltmp1, $4  }
0x55: {  	[hbm:s24], [sflag:s6] =	dma.local [spmem:s10], $0x1400  }
0x56: {  	_ =	swait.ge [sflag:s11], $0x1400  }
0x57: {  	[sflag:s11] =	ssyncset.done $0x0  }
0x58: {  	[sflag:s11] =	ssyncadd.s32 $0xFFFFEC00  }
0x59: {  	_ =	sfence.sel $0x180000  }
0x5a: {  	[bflag:$0x0] =	sbarrier.arrive $0xFFFF  }
0x5b: {  	_ =	strace $0x9000004A  }
0x5c: {  	s0 =	stileid.u32;
	[bflag:$0x2] =	sbarrier.arrive $0xFFFF  }
0x5d: {  	p0 =	sne.s32 s0, $0x0;
	s0 =	rddreg [dreg:$0x2]  }
0x5e: {  	s0 =	sadd.s32 @!p0 $0x100000, s0  }
0x5f: {  	[sflag:s0] =	ssyncadd.tile.s32 @!p0 $0x1;
	_ =	shalt  }
.Lfunc_end2:
_tile_overlayer_lowered:
.L_overlay_start_2:
0x60: {  	(tag) =	ssettag $0x2  }
0x61: {  	s0 =	rddreg [dreg:$0x0];
	s2 =	stileid.u32  }
0x62: {  	s1 =	rddreg [dreg:$0x1];
	p0 =	sne.s32 s2, $0x0  }
0x63: {  	s3 =	rddreg [dreg:$0x2];
	[bflag:$0x3] =	sbarrier.arrive $0xFFFF;
	s2 =	simm.s32 @!p0 $0x1C03  }
0x64: {  	[timem:s3], [sflag:s2] =	dma.local @!p0 [hbm:s0], s1  }
0x65: {  	s0 =	simm.s32 @!p0 $0x3  }
0x66: {  	_ =	swait.ge @!p0 [sflag:s0], s1  }
0x67: {  	s1 =	ssub.s32 @!p0 $0x0, s1;
	[sflag:s0] =	ssyncset.done @!p0 $0x0  }
0x68: {  	[sflag:s0] =	ssyncadd.s32 @!p0 s1  }
0x69: {  	[bflag:$0x3] =	sbarrier.arrive $0xFFFF  }
0x6a: {  	_ =	shalt  }

</sc_bundles>
